<compile_context>
chip_gen: v7x
topology: tpu7x:2x2x1
jax: 0.10.2.dev20260603
libtpu: 0.0.44.dev20260713+nightly
codegen_flags: <defaults>
</compile_context>

<pallas_src>
import jax
import jax.numpy as jnp
from jax import lax
from jax.experimental import pallas as pl
from jax.experimental.pallas import tpu as pltpu
from jax.experimental.pallas import tpu_sc as plsc

N, E, D_IN, D_OUT, D_EDGE = 10000, 320000, 128, 128, 16
NC, NS, L = 2, 16, 16
NW = NC * NS
CH = E // NW
NPAD = 10240
STRIPE = NPAD // NS
EB = 163840
NB = 5120



def _tc_pre_body(x_ref, w_ref, attn_ref, ew_ref, eb_ref, ei_ref, eat_ref,
                 scat_ref, t_ref, pk_ref):
    i = pl.program_id(0)

    @pl.when(i == 0)
    def _dense():
        a12 = jnp.concatenate([attn_ref[:, 0:D_OUT],
                               attn_ref[:, D_OUT:2 * D_OUT]], axis=0)
        u = lax.dot_general(a12, w_ref[...], (((1,), (0,)), ((), ())),
                            preferred_element_type=jnp.float32)
        s12 = lax.dot_general(u, x_ref[...], (((1,), (1,)), ((), ())),
                              preferred_element_type=jnp.float32)
        scat_ref[pl.ds(0, N)] = s12[0]
        scat_ref[pl.ds(NPAD, N)] = s12[1]

    a3 = attn_ref[:, 2 * D_OUT:]
    v = lax.dot_general(a3, ew_ref[...], (((1,), (0,)), ((), ())),
                        preferred_element_type=jnp.float32)
    c = jnp.sum(eb_ref[...] * a3[0, :])
    prod = lax.dot_general(v, eat_ref[...], (((1,), (0,)), ((), ())),
                           preferred_element_type=jnp.float32)
    t_ref[...] = prod[0] + c
    ei = ei_ref[...]
    pk_ref[...] = ei[0] | (ei[1] << 14)


def _final_body(x_ref, w_ref, sa_ref, sb_ref, o_ref):
    pair = jnp.concatenate([sa_ref[...], sb_ref[...]], axis=0)
    ones = jnp.ones((2, 1), jnp.float32)
    tot = lax.dot_general(pair, ones, (((0,), (0,)), ((), ())),
                          preferred_element_type=jnp.float32)
    a = tot / jnp.maximum(tot, 1e-10)
    wh = lax.dot_general(x_ref[...], w_ref[...],
                         (((1,), (1,)), ((), ())),
                         preferred_element_type=jnp.float32)
    o_ref[...] = wh * a



HA = 5120
HB = CH - HA


def _sc_body(pk_hbm, t_hbm, scat_hbm, s_out_hbm,
             pk_v, t_v, dst_a, dst_b, p_a, p_b, s1_v, s2_v, z_v, s_sh,
             sem_in, sem_sc):
    cid = lax.axis_index("c")
    sid = lax.axis_index("s")
    wid = sid * NC + cid
    base = wid * CH
    c1 = pltpu.async_copy(pk_hbm.at[pl.ds(base, CH)], pk_v, sem_in)
    c4 = pltpu.async_copy(t_hbm.at[pl.ds(base, CH)], t_v, sem_in)
    c5 = pltpu.async_copy(scat_hbm.at[pl.ds(0, N)], s1_v, sem_in)
    c6 = pltpu.async_copy(scat_hbm.at[pl.ds(NPAD, N)], s2_v, sem_in)

    @plsc.parallel_loop(0, STRIPE, step=L)
    def zbody(i):
        z_v[pl.ds(i, L)] = jnp.zeros((L,), jnp.float32)
    pltpu.sync_copy(z_v, s_sh.at[pl.ds(sid * STRIPE, STRIPE)])
    plsc.subcore_barrier()
    c1.wait(); c4.wait(); c5.wait(); c6.wait()

    @plsc.parallel_loop(0, HA, step=L, unroll=8)
    def body_a(i):
        sl = pl.ds(i, L)
        pk = pk_v[sl]
        src16 = pk & 16383
        dst16 = lax.shift_right_logical(pk, 14)
        g1 = plsc.load_gather(s1_v, [src16])
        g2 = plsc.load_gather(s2_v, [dst16])
        e = g1 + g2 + t_v[sl]
        e = jnp.maximum(e, 0.2 * e)
        e = jnp.minimum(e, 30.0)
        dst_a[sl] = dst16
        p_a[sl] = jnp.exp(e)

    ca = pltpu.async_copy(p_a, s_sh.at[dst_a], sem_sc, add=True)

    @plsc.parallel_loop(0, HB, step=L, unroll=8)
    def body_b(i):
        sl = pl.ds(i, L)
        pk = pk_v[pl.ds(i + HA, L)]
        src16 = pk & 16383
        dst16 = lax.shift_right_logical(pk, 14)
        g1 = plsc.load_gather(s1_v, [src16])
        g2 = plsc.load_gather(s2_v, [dst16])
        e = g1 + g2 + t_v[pl.ds(i + HA, L)]
        e = jnp.maximum(e, 0.2 * e)
        e = jnp.minimum(e, 30.0)
        dst_b[sl] = dst16
        p_b[sl] = jnp.exp(e)

    cb = pltpu.async_copy(p_b, s_sh.at[dst_b], sem_sc, add=True)
    ca.wait()
    cb.wait()
    plsc.subcore_barrier()
    pltpu.sync_copy(s_sh.at[pl.ds(sid * STRIPE, STRIPE)],
                    s_out_hbm.at[0, pl.ds(cid * NPAD + sid * STRIPE, STRIPE)])


@jax.jit
def kernel(x, edge_index, edge_attr, W, attn, edge_W, edge_b):
    scat, t, pk = pl.pallas_call(
        _tc_pre_body,
        grid=(pl.cdiv(E, EB),),
        in_specs=[pl.BlockSpec((N, D_IN), lambda i: (0, 0)),
                  pl.BlockSpec((D_OUT, D_IN), lambda i: (0, 0)),
                  pl.BlockSpec((1, 2 * D_OUT + D_EDGE), lambda i: (0, 0)),
                  pl.BlockSpec((D_EDGE, D_EDGE), lambda i: (0, 0)),
                  pl.BlockSpec((D_EDGE,), lambda i: (0,)),
                  pl.BlockSpec((2, EB), lambda i: (0, i)),
                  pl.BlockSpec((D_EDGE, EB), lambda i: (0, i))],
        out_specs=(pl.BlockSpec((2 * NPAD,), lambda i: (0,)),
                   pl.BlockSpec((EB,), lambda i: (i,)),
                   pl.BlockSpec((EB,), lambda i: (i,))),
        out_shape=(jax.ShapeDtypeStruct((2 * NPAD,), jnp.float32),
                   jax.ShapeDtypeStruct((E,), jnp.float32),
                   jax.ShapeDtypeStruct((E,), jnp.int32)),
    )(x, W, attn, edge_W, edge_b, edge_index, edge_attr.T)

    sc = pl.kernel(
        _sc_body,
        out_type=jax.ShapeDtypeStruct((1, 2 * NPAD), jnp.float32),
        mesh=plsc.VectorSubcoreMesh(core_axis_name="c", subcore_axis_name="s"),
        compiler_params=pltpu.CompilerParams(needs_layout_passes=False,
                                             use_tc_tiling_on_sc=False),
        scratch_types=[
            pltpu.VMEM((CH,), jnp.int32),
            pltpu.VMEM((CH,), jnp.float32),
            pltpu.VMEM((HA,), jnp.int32),
            pltpu.VMEM((HB,), jnp.int32),
            pltpu.VMEM((HA,), jnp.float32),
            pltpu.VMEM((HB,), jnp.float32),
            pltpu.VMEM((N,), jnp.float32),
            pltpu.VMEM((N,), jnp.float32),
            pltpu.VMEM((STRIPE,), jnp.float32),
            pltpu.VMEM_SHARED((NPAD,), jnp.float32),
            pltpu.SemaphoreType.DMA,
            pltpu.SemaphoreType.DMA,
        ],
    )
    s_out = sc(pk, t, scat)

    out = pl.pallas_call(
        _final_body,
        grid=(pl.cdiv(N, NB),),
        in_specs=[pl.BlockSpec((NB, D_IN), lambda i: (i, 0)),
                  pl.BlockSpec((D_OUT, D_IN), lambda i: (0, 0)),
                  pl.BlockSpec((1, NB), lambda i: (0, i)),
                  pl.BlockSpec((1, NB), lambda i: (0, NPAD // NB + i))],
        out_specs=pl.BlockSpec((NB, D_OUT), lambda i: (i, 0)),
        out_shape=jax.ShapeDtypeStruct((N, D_OUT), jnp.float32),
    )(x, W, s_out, s_out)
    return out

# --- scband reference (transcript-rebuilt; emitter-appended) ---
"""Pipeline reference for scband-graph-attention-layer-56049323213422 (READ-ONLY COPY).

The authoritative reference and input builder live on the scoring server;
editing this copy changes nothing except your own understanding.
"""

import jax, jax.numpy as jnp
import numpy as np

N, E, D_IN, D_OUT, H, D_EDGE = 10000, 320000, 128, 128, 1, 16

def setup_inputs(seed: int = 0):
    key = jax.random.key(seed)
    ks = jax.random.split(key, 8)
    x = jax.random.normal(ks[0], (N, D_IN), dtype=jnp.float32)
    edge_index = jax.random.randint(ks[1], (2, E), 0, N, dtype=jnp.int32)
    edge_attr = jax.random.normal(ks[2], (E, D_EDGE), dtype=jnp.float32)
    W = jax.random.normal(ks[3], (H * D_OUT, D_IN), dtype=jnp.float32) * (1.0 / np.sqrt(D_IN))
    attn = jax.random.normal(ks[4], (H, 2 * D_OUT + D_EDGE), dtype=jnp.float32) * 0.1
    edge_W = jax.random.normal(ks[5], (D_EDGE, D_EDGE), dtype=jnp.float32) * (1.0 / np.sqrt(D_EDGE))
    edge_b = jnp.zeros((D_EDGE,), dtype=jnp.float32)
    return {"x": x, "edge_index": edge_index, "edge_attr": edge_attr, "W": W, "attn": attn, "edge_W": edge_W, "edge_b": edge_b}

def reference(x, edge_index, edge_attr, W, attn, edge_W, edge_b):
    n = x.shape[0]
    h = attn.shape[0]
    d = W.shape[0] // h
    Wh = (x @ W.T).reshape(n, h, d)
    src = edge_index[0]
    dst = edge_index[1]
    Wh_i = Wh[src]
    Wh_j = Wh[dst]
    attn_input = jnp.concatenate([Wh_i, Wh_j], axis=-1)
    edge_feat = edge_attr @ edge_W.T + edge_b
    edge_feat = jnp.broadcast_to(edge_feat[:, None, :], (edge_feat.shape[0], h, edge_feat.shape[1]))
    attn_input = jnp.concatenate([attn_input, edge_feat], axis=-1)
    e = (attn_input * attn[None, :, :]).sum(axis=-1)
    e = jnp.where(e > 0, e, 0.2 * e)
    e_max = jnp.zeros((n, h), dtype=x.dtype).at[dst].max(e)
    e_stable = e - e_max[dst]
    e_exp = jnp.exp(e_stable)
    e_sum = jnp.zeros((n, h), dtype=x.dtype).at[dst].add(e_exp)
    e_sum = jnp.maximum(e_sum, 1e-10)
    alpha = e_exp / e_sum[dst]
    weighted = Wh_j * alpha[..., None]
    out = jnp.zeros((n, h, d), dtype=x.dtype).at[dst].add(weighted)
    return out.reshape(n, h * d)

if __name__ == "__main__":
    import jax
    _d = setup_inputs()
    print(jax.jit(kernel)(*tuple(_d.values())))

</pallas_src>

<mosaic_0001>
#map = affine_map<(d0, d1) -> (0)>
#map1 = affine_map<(d0, d1) -> (0, 0)>
module attributes {stable_mosaic.version = 14 : i64} {
  func.func @_sc_body(%arg0: i32, %arg1: i32, %arg2: memref<320000xi32, #tpu.memory_space<hbm>>, %arg3: memref<320000xf32, #tpu.memory_space<hbm>>, %arg4: memref<20480xf32, #tpu.memory_space<hbm>>, %arg5: memref<1x20480xf32, #tpu.memory_space<hbm>>, %arg6: memref<10000xi32, #tpu.memory_space<vmem>>, %arg7: memref<10000xf32, #tpu.memory_space<vmem>>, %arg8: memref<5120xi32, #tpu.memory_space<vmem>>, %arg9: memref<4880xi32, #tpu.memory_space<vmem>>, %arg10: memref<5120xf32, #tpu.memory_space<vmem>>, %arg11: memref<4880xf32, #tpu.memory_space<vmem>>, %arg12: memref<10000xf32, #tpu.memory_space<vmem>>, %arg13: memref<10000xf32, #tpu.memory_space<vmem>>, %arg14: memref<640xf32, #tpu.memory_space<vmem>>, %arg15: memref<10240xf32, #tpu.memory_space<vmem_shared>>, %arg16: memref<!tpu.dma_semaphore, #tpu.memory_space<semaphore_mem>>, %arg17: memref<!tpu.dma_semaphore, #tpu.memory_space<semaphore_mem>>) attributes {dimension_semantics = [#tpu.dimension_semantics<core_parallel>, #tpu.dimension_semantics<subcore_parallel>], iteration_bounds = array<i64: 2, 16>, scalar_prefetch = 0 : i64, scratch_operands = 12 : i64, tpu.core_type = #tpu.core_type<sc_vector_subcore>, window_params = [{transform_indices = #map}, {transform_indices = #map}, {transform_indices = #map}, {transform_indices = #map1}]} {
    %mul3A = arith.constant 2 : i32
    %mul3A_0 = arith.muli %arg1, %mul3A : i32
    %add3A = arith.addi %mul3A_0, %arg0 : i32
    %mul3A_1 = arith.constant 10000 : i32
    %mul3A_2 = arith.muli %add3A, %mul3A_1 : i32
    %dma_start3A = tpu.memref_slice %arg2[%mul3A_2] : memref<320000xi32, #tpu.memory_space<hbm>> -> memref<10000xi32, #tpu.memory_space<hbm>>
    %dma_start3A_3 = tpu.memref_slice %arg2[%mul3A_2] : memref<320000xi32, #tpu.memory_space<hbm>> -> memref<10000xi32, #tpu.memory_space<hbm>>
    tpu.enqueue_dma source(%dma_start3A_3 : memref<10000xi32, #tpu.memory_space<hbm>>) target(%arg6 : memref<10000xi32, #tpu.memory_space<vmem>>) target_semaphore(%arg16 : memref<!tpu.dma_semaphore, #tpu.memory_space<semaphore_mem>>)
    %dma_start3A_4 = tpu.memref_slice %arg3[%mul3A_2] : memref<320000xf32, #tpu.memory_space<hbm>> -> memref<10000xf32, #tpu.memory_space<hbm>>
    %dma_start3A_5 = tpu.memref_slice %arg3[%mul3A_2] : memref<320000xf32, #tpu.memory_space<hbm>> -> memref<10000xf32, #tpu.memory_space<hbm>>
    tpu.enqueue_dma source(%dma_start3A_5 : memref<10000xf32, #tpu.memory_space<hbm>>) target(%arg7 : memref<10000xf32, #tpu.memory_space<vmem>>) target_semaphore(%arg16 : memref<!tpu.dma_semaphore, #tpu.memory_space<semaphore_mem>>)
    %dma_start3A_6 = arith.constant 0 : i32
    %dma_start3A_7 = tpu.memref_slice %arg4[%dma_start3A_6] : memref<20480xf32, #tpu.memory_space<hbm>> -> memref<10000xf32, #tpu.memory_space<hbm>>
    %dma_start3A_8 = arith.constant 0 : i32
    %dma_start3A_9 = tpu.memref_slice %arg4[%dma_start3A_8] : memref<20480xf32, #tpu.memory_space<hbm>> -> memref<10000xf32, #tpu.memory_space<hbm>>
    tpu.enqueue_dma source(%dma_start3A_9 : memref<10000xf32, #tpu.memory_space<hbm>>) target(%arg12 : memref<10000xf32, #tpu.memory_space<vmem>>) target_semaphore(%arg16 : memref<!tpu.dma_semaphore, #tpu.memory_space<semaphore_mem>>)
    %dma_start3A_10 = arith.constant 10240 : i32
    %dma_start3A_11 = tpu.memref_slice %arg4[%dma_start3A_10] : memref<20480xf32, #tpu.memory_space<hbm>> -> memref<10000xf32, #tpu.memory_space<hbm>>
    %dma_start3A_12 = arith.constant 10240 : i32
    %dma_start3A_13 = tpu.memref_slice %arg4[%dma_start3A_12] : memref<20480xf32, #tpu.memory_space<hbm>> -> memref<10000xf32, #tpu.memory_space<hbm>>
    tpu.enqueue_dma source(%dma_start3A_13 : memref<10000xf32, #tpu.memory_space<hbm>>) target(%arg13 : memref<10000xf32, #tpu.memory_space<vmem>>) target_semaphore(%arg16 : memref<!tpu.dma_semaphore, #tpu.memory_space<semaphore_mem>>)
    %parallel_loop3A = arith.constant 0 : i32
    %parallel_loop3A_14 = arith.constant 640 : i32
    %parallel_loop3A_15 = arith.constant 16 : i32
    scf.for %parallel_loop3A_51 = %parallel_loop3A to %parallel_loop3A_14 step %parallel_loop3A_15  : i32 {
      %parallel_loop3A_52 = arith.constant 0.000000e+00 : f32
      %parallel_loop3A_53 = vector.broadcast %parallel_loop3A_52 : f32 to vector<16xf32>
      %parallel_loop3A_54 = arith.index_cast %parallel_loop3A_51 : i32 to index
      %parallel_loop3A_55 = tpu.vector_load %arg14[%parallel_loop3A_54] {strides = array<i32>} : memref<640xf32, #tpu.memory_space<vmem>>, vector<16xf32>,
      tpu.vector_store %arg14[%parallel_loop3A_54], %parallel_loop3A_53 {strides = array<i32>} : memref<640xf32, #tpu.memory_space<vmem>>, vector<16xf32>,
    } {sc.loop_unroll_factor = 1 : i64, sc.parallel_access}
    %mul3A_16 = arith.constant 640 : i32
    %mul3A_17 = arith.muli %arg1, %mul3A_16 : i32
    "tpu.region"() ({
      %run_scoped3A_51 = tpu.sem_alloc : memref<!tpu.dma_semaphore, #tpu.memory_space<semaphore_mem>>
      %dma_start3A_52 = tpu.memref_slice %arg15[%mul3A_17] : memref<10240xf32, #tpu.memory_space<vmem_shared>> -> memref<640xf32, #tpu.memory_space<vmem_shared>>
      %dma_start3A_53 = tpu.memref_slice %arg15[%mul3A_17] : memref<10240xf32, #tpu.memory_space<vmem_shared>> -> memref<640xf32, #tpu.memory_space<vmem_shared>>
      tpu.enqueue_dma source(%arg14 : memref<640xf32, #tpu.memory_space<vmem>>) target(%dma_start3A_53 : memref<640xf32, #tpu.memory_space<vmem_shared>>) target_semaphore(%run_scoped3A_51 : memref<!tpu.dma_semaphore, #tpu.memory_space<semaphore_mem>>)
      %dma_wait3A_54 = tpu.memref_slice %arg15[%mul3A_17] : memref<10240xf32, #tpu.memory_space<vmem_shared>> -> memref<640xf32, #tpu.memory_space<vmem_shared>>
      %dma_wait3A_55 = tpu.memref_slice %arg15[%mul3A_17] : memref<10240xf32, #tpu.memory_space<vmem_shared>> -> memref<640xf32, #tpu.memory_space<vmem_shared>>
      tpu.wait_dma2 semaphore(%run_scoped3A_51 : memref<!tpu.dma_semaphore, #tpu.memory_space<semaphore_mem>>) src(%arg14 : memref<640xf32, #tpu.memory_space<vmem>>) dst(%dma_wait3A_55 : memref<640xf32, #tpu.memory_space<vmem_shared>>)
      tpu.yield
    }) : () -> ()
    %barrier3A = arith.constant 0 : index
    tpu.barrier barrier_id(%barrier3A)
    %dma_wait3A = tpu.memref_slice %arg2[%mul3A_2] : memref<320000xi32, #tpu.memory_space<hbm>> -> memref<10000xi32, #tpu.memory_space<hbm>>
    %dma_wait3A_18 = tpu.memref_slice %arg2[%mul3A_2] : memref<320000xi32, #tpu.memory_space<hbm>> -> memref<10000xi32, #tpu.memory_space<hbm>>
    tpu.wait_dma2 semaphore(%arg16 : memref<!tpu.dma_semaphore, #tpu.memory_space<semaphore_mem>>) src(%dma_wait3A_18 : memref<10000xi32, #tpu.memory_space<hbm>>) dst(%arg6 : memref<10000xi32, #tpu.memory_space<vmem>>)
    %dma_wait3A_19 = tpu.memref_slice %arg3[%mul3A_2] : memref<320000xf32, #tpu.memory_space<hbm>> -> memref<10000xf32, #tpu.memory_space<hbm>>
    %dma_wait3A_20 = tpu.memref_slice %arg3[%mul3A_2] : memref<320000xf32, #tpu.memory_space<hbm>> -> memref<10000xf32, #tpu.memory_space<hbm>>
    tpu.wait_dma2 semaphore(%arg16 : memref<!tpu.dma_semaphore, #tpu.memory_space<semaphore_mem>>) src(%dma_wait3A_20 : memref<10000xf32, #tpu.memory_space<hbm>>) dst(%arg7 : memref<10000xf32, #tpu.memory_space<vmem>>)
    %dma_wait3A_21 = arith.constant 0 : i32
    %dma_wait3A_22 = tpu.memref_slice %arg4[%dma_wait3A_21] : memref<20480xf32, #tpu.memory_space<hbm>> -> memref<10000xf32, #tpu.memory_space<hbm>>
    %dma_wait3A_23 = arith.constant 0 : i32
    %dma_wait3A_24 = tpu.memref_slice %arg4[%dma_wait3A_23] : memref<20480xf32, #tpu.memory_space<hbm>> -> memref<10000xf32, #tpu.memory_space<hbm>>
    tpu.wait_dma2 semaphore(%arg16 : memref<!tpu.dma_semaphore, #tpu.memory_space<semaphore_mem>>) src(%dma_wait3A_24 : memref<10000xf32, #tpu.memory_space<hbm>>) dst(%arg12 : memref<10000xf32, #tpu.memory_space<vmem>>)
    %dma_wait3A_25 = arith.constant 10240 : i32
    %dma_wait3A_26 = tpu.memref_slice %arg4[%dma_wait3A_25] : memref<20480xf32, #tpu.memory_space<hbm>> -> memref<10000xf32, #tpu.memory_space<hbm>>
    %dma_wait3A_27 = arith.constant 10240 : i32
    %dma_wait3A_28 = tpu.memref_slice %arg4[%dma_wait3A_27] : memref<20480xf32, #tpu.memory_space<hbm>> -> memref<10000xf32, #tpu.memory_space<hbm>>
    tpu.wait_dma2 semaphore(%arg16 : memref<!tpu.dma_semaphore, #tpu.memory_space<semaphore_mem>>) src(%dma_wait3A_28 : memref<10000xf32, #tpu.memory_space<hbm>>) dst(%arg13 : memref<10000xf32, #tpu.memory_space<vmem>>)
    %parallel_loop3A_29 = arith.constant 0 : i32
    %parallel_loop3A_30 = arith.constant 5120 : i32
    %parallel_loop3A_31 = arith.constant 16 : i32
    scf.for %parallel_loop3A_51 = %parallel_loop3A_29 to %parallel_loop3A_30 step %parallel_loop3A_31  : i32 {
      %parallel_loop3A_52 = arith.index_cast %parallel_loop3A_51 : i32 to index
      %parallel_loop3A_53 = tpu.vector_load %arg6[%parallel_loop3A_52] {strides = array<i32>} : memref<10000xi32, #tpu.memory_space<vmem>>, vector<16xi32>,
      %parallel_loop3A_54 = arith.constant 16383 : i32
      %parallel_loop3A_55 = vector.broadcast %parallel_loop3A_54 : i32 to vector<16xi32>
      %parallel_loop3A_56 = arith.andi %parallel_loop3A_53, %parallel_loop3A_55 : vector<16xi32>
      %parallel_loop3A_57 = arith.constant 14 : i32
      %parallel_loop3A_58 = vector.broadcast %parallel_loop3A_57 : i32 to vector<16xi32>
      %parallel_loop3A_59 = arith.shrui %parallel_loop3A_53, %parallel_loop3A_58 : vector<16xi32>
      %parallel_loop3A_60 = tpu.vector_load_idx %arg12[%parallel_loop3A_56] : memref<10000xf32, #tpu.memory_space<vmem>>[vector<16xi32>], vector<16xf32>,
      %parallel_loop3A_61 = tpu.vector_load_idx %arg13[%parallel_loop3A_59] : memref<10000xf32, #tpu.memory_space<vmem>>[vector<16xi32>], vector<16xf32>,
      %parallel_loop3A_62 = arith.addf %parallel_loop3A_60, %parallel_loop3A_61 : vector<16xf32>
      %parallel_loop3A_63 = arith.index_cast %parallel_loop3A_51 : i32 to index
      %parallel_loop3A_64 = tpu.vector_load %arg7[%parallel_loop3A_63] {strides = array<i32>} : memref<10000xf32, #tpu.memory_space<vmem>>, vector<16xf32>,
      %parallel_loop3A_65 = arith.addf %parallel_loop3A_62, %parallel_loop3A_64 : vector<16xf32>
      %parallel_loop3A_66 = arith.constant 2.000000e-01 : f32
      %parallel_loop3A_67 = vector.broadcast %parallel_loop3A_66 : f32 to vector<16xf32>
      %parallel_loop3A_68 = arith.mulf %parallel_loop3A_67, %parallel_loop3A_65 : vector<16xf32>
      %parallel_loop3A_69 = arith.maximumf %parallel_loop3A_65, %parallel_loop3A_68 : vector<16xf32>
      %parallel_loop3A_70 = arith.constant 3.000000e+01 : f32
      %parallel_loop3A_71 = vector.broadcast %parallel_loop3A_70 : f32 to vector<16xf32>
      %parallel_loop3A_72 = arith.minimumf %parallel_loop3A_69, %parallel_loop3A_71 : vector<16xf32>
      %parallel_loop3A_73 = arith.index_cast %parallel_loop3A_51 : i32 to index
      %parallel_loop3A_74 = tpu.vector_load %arg8[%parallel_loop3A_73] {strides = array<i32>} : memref<5120xi32, #tpu.memory_space<vmem>>, vector<16xi32>,
      tpu.vector_store %arg8[%parallel_loop3A_73], %parallel_loop3A_59 {strides = array<i32>} : memref<5120xi32, #tpu.memory_space<vmem>>, vector<16xi32>,
      %parallel_loop3A_75 = math.exp %parallel_loop3A_72 : vector<16xf32>
      %parallel_loop3A_76 = arith.index_cast %parallel_loop3A_51 : i32 to index
      %parallel_loop3A_77 = tpu.vector_load %arg10[%parallel_loop3A_76] {strides = array<i32>} : memref<5120xf32, #tpu.memory_space<vmem>>, vector<16xf32>,
      tpu.vector_store %arg10[%parallel_loop3A_76], %parallel_loop3A_75 {strides = array<i32>} : memref<5120xf32, #tpu.memory_space<vmem>>, vector<16xf32>,
    } {sc.loop_unroll_factor = 8 : i64, sc.parallel_access}
    %dma_start3A_32 = arith.constant 0 : i32
    %dma_start3A_33 = tpu.memref_slice %arg15[%dma_start3A_32] : memref<10240xf32, #tpu.memory_space<vmem_shared>> -> memref<10240xf32, #tpu.memory_space<vmem_shared>>
    tpu.enqueue_indirect_dma source(%arg10 : memref<5120xf32, #tpu.memory_space<vmem>>) target(%dma_start3A_33 : memref<10240xf32, #tpu.memory_space<vmem_shared>>) offsets(%arg8 : memref<5120xi32, #tpu.memory_space<vmem>>) semaphore(%arg17 : memref<!tpu.dma_semaphore, #tpu.memory_space<semaphore_mem>>) {add = true}
    %parallel_loop3A_34 = arith.constant 0 : i32
    %parallel_loop3A_35 = arith.constant 4880 : i32
    %parallel_loop3A_36 = arith.constant 16 : i32
    scf.for %parallel_loop3A_51 = %parallel_loop3A_34 to %parallel_loop3A_35 step %parallel_loop3A_36  : i32 {
      %parallel_loop3A_52 = arith.constant 5120 : i32
      %parallel_loop3A_53 = arith.addi %parallel_loop3A_51, %parallel_loop3A_52 : i32
      %parallel_loop3A_54 = arith.index_cast %parallel_loop3A_53 : i32 to index
      %parallel_loop3A_55 = tpu.vector_load %arg6[%parallel_loop3A_54] {strides = array<i32>} : memref<10000xi32, #tpu.memory_space<vmem>>, vector<16xi32>,
      %parallel_loop3A_56 = arith.constant 16383 : i32
      %parallel_loop3A_57 = vector.broadcast %parallel_loop3A_56 : i32 to vector<16xi32>
      %parallel_loop3A_58 = arith.andi %parallel_loop3A_55, %parallel_loop3A_57 : vector<16xi32>
      %parallel_loop3A_59 = arith.constant 14 : i32
      %parallel_loop3A_60 = vector.broadcast %parallel_loop3A_59 : i32 to vector<16xi32>
      %parallel_loop3A_61 = arith.shrui %parallel_loop3A_55, %parallel_loop3A_60 : vector<16xi32>
      %parallel_loop3A_62 = tpu.vector_load_idx %arg12[%parallel_loop3A_58] : memref<10000xf32, #tpu.memory_space<vmem>>[vector<16xi32>], vector<16xf32>,
      %parallel_loop3A_63 = tpu.vector_load_idx %arg13[%parallel_loop3A_61] : memref<10000xf32, #tpu.memory_space<vmem>>[vector<16xi32>], vector<16xf32>,
      %parallel_loop3A_64 = arith.addf %parallel_loop3A_62, %parallel_loop3A_63 : vector<16xf32>
      %parallel_loop3A_65 = arith.constant 5120 : i32
      %parallel_loop3A_66 = arith.addi %parallel_loop3A_51, %parallel_loop3A_65 : i32
      %parallel_loop3A_67 = arith.index_cast %parallel_loop3A_66 : i32 to index
      %parallel_loop3A_68 = tpu.vector_load %arg7[%parallel_loop3A_67] {strides = array<i32>} : memref<10000xf32, #tpu.memory_space<vmem>>, vector<16xf32>,
      %parallel_loop3A_69 = arith.addf %parallel_loop3A_64, %parallel_loop3A_68 : vector<16xf32>
      %parallel_loop3A_70 = arith.constant 2.000000e-01 : f32
      %parallel_loop3A_71 = vector.broadcast %parallel_loop3A_70 : f32 to vector<16xf32>
      %parallel_loop3A_72 = arith.mulf %parallel_loop3A_71, %parallel_loop3A_69 : vector<16xf32>
      %parallel_loop3A_73 = arith.maximumf %parallel_loop3A_69, %parallel_loop3A_72 : vector<16xf32>
      %parallel_loop3A_74 = arith.constant 3.000000e+01 : f32
      %parallel_loop3A_75 = vector.broadcast %parallel_loop3A_74 : f32 to vector<16xf32>
      %parallel_loop3A_76 = arith.minimumf %parallel_loop3A_73, %parallel_loop3A_75 : vector<16xf32>
      %parallel_loop3A_77 = arith.index_cast %parallel_loop3A_51 : i32 to index
      %parallel_loop3A_78 = tpu.vector_load %arg9[%parallel_loop3A_77] {strides = array<i32>} : memref<4880xi32, #tpu.memory_space<vmem>>, vector<16xi32>,
      tpu.vector_store %arg9[%parallel_loop3A_77], %parallel_loop3A_61 {strides = array<i32>} : memref<4880xi32, #tpu.memory_space<vmem>>, vector<16xi32>,
      %parallel_loop3A_79 = math.exp %parallel_loop3A_76 : vector<16xf32>
      %parallel_loop3A_80 = arith.index_cast %parallel_loop3A_51 : i32 to index
      %parallel_loop3A_81 = tpu.vector_load %arg11[%parallel_loop3A_80] {strides = array<i32>} : memref<4880xf32, #tpu.memory_space<vmem>>, vector<16xf32>,
      tpu.vector_store %arg11[%parallel_loop3A_80], %parallel_loop3A_79 {strides = array<i32>} : memref<4880xf32, #tpu.memory_space<vmem>>, vector<16xf32>,
    } {sc.loop_unroll_factor = 8 : i64, sc.parallel_access}
    %dma_start3A_37 = arith.constant 0 : i32
    %dma_start3A_38 = tpu.memref_slice %arg15[%dma_start3A_37] : memref<10240xf32, #tpu.memory_space<vmem_shared>> -> memref<10240xf32, #tpu.memory_space<vmem_shared>>
    tpu.enqueue_indirect_dma source(%arg11 : memref<4880xf32, #tpu.memory_space<vmem>>) target(%dma_start3A_38 : memref<10240xf32, #tpu.memory_space<vmem_shared>>) offsets(%arg9 : memref<4880xi32, #tpu.memory_space<vmem>>) semaphore(%arg17 : memref<!tpu.dma_semaphore, #tpu.memory_space<semaphore_mem>>) {add = true}
    %dma_wait3A_39 = arith.constant 0 : i32
    %dma_wait3A_40 = tpu.memref_slice %arg15[%dma_wait3A_39] : memref<10240xf32, #tpu.memory_space<vmem_shared>> -> memref<10240xf32, #tpu.memory_space<vmem_shared>>
    tpu.wait_indirect_dma semaphore(%arg17 : memref<!tpu.dma_semaphore, #tpu.memory_space<semaphore_mem>>) src(%arg10 : memref<5120xf32, #tpu.memory_space<vmem>>) dst(%dma_wait3A_40 : memref<10240xf32, #tpu.memory_space<vmem_shared>>)
    %dma_wait3A_41 = arith.constant 0 : i32
    %dma_wait3A_42 = tpu.memref_slice %arg15[%dma_wait3A_41] : memref<10240xf32, #tpu.memory_space<vmem_shared>> -> memref<10240xf32, #tpu.memory_space<vmem_shared>>
    tpu.wait_indirect_dma semaphore(%arg17 : memref<!tpu.dma_semaphore, #tpu.memory_space<semaphore_mem>>) src(%arg11 : memref<4880xf32, #tpu.memory_space<vmem>>) dst(%dma_wait3A_42 : memref<10240xf32, #tpu.memory_space<vmem_shared>>)
    %barrier3A_43 = arith.constant 0 : index
    tpu.barrier barrier_id(%barrier3A_43)
    %mul3A_44 = arith.constant 640 : i32
    %mul3A_45 = arith.muli %arg1, %mul3A_44 : i32
    %mul3A_46 = arith.constant 10240 : i32
    %mul3A_47 = arith.muli %arg0, %mul3A_46 : i32
    %mul3A_48 = arith.constant 640 : i32
    %mul3A_49 = arith.muli %arg1, %mul3A_48 : i32
    %add3A_50 = arith.addi %mul3A_47, %mul3A_49 : i32
    %run_scoped3A = arith.constant 0 : i32
    "tpu.region"() ({
      %run_scoped3A_51 = tpu.sem_alloc : memref<!tpu.dma_semaphore, #tpu.memory_space<semaphore_mem>>
      %dma_start3A_52 = tpu.memref_slice %arg5[%run_scoped3A, %add3A_50] : memref<1x20480xf32, #tpu.memory_space<hbm>> -> memref<1x640xf32, #tpu.memory_space<hbm>>
      %dma_start3A_53 = tpu.memref_squeeze %dma_start3A_52 : memref<1x640xf32, #tpu.memory_space<hbm>> -> memref<640xf32, #tpu.memory_space<hbm>>
      %dma_start3A_54 = tpu.memref_slice %arg15[%mul3A_45] : memref<10240xf32, #tpu.memory_space<vmem_shared>> -> memref<640xf32, #tpu.memory_space<vmem_shared>>
      tpu.enqueue_dma source(%dma_start3A_54 : memref<640xf32, #tpu.memory_space<vmem_shared>>) target(%dma_start3A_53 : memref<640xf32, #tpu.memory_space<hbm>>) target_semaphore(%run_scoped3A_51 : memref<!tpu.dma_semaphore, #tpu.memory_space<semaphore_mem>>)
      %dma_wait3A_55 = tpu.memref_slice %arg5[%run_scoped3A, %add3A_50] : memref<1x20480xf32, #tpu.memory_space<hbm>> -> memref<1x640xf32, #tpu.memory_space<hbm>>
      %dma_wait3A_56 = tpu.memref_squeeze %dma_wait3A_55 : memref<1x640xf32, #tpu.memory_space<hbm>> -> memref<640xf32, #tpu.memory_space<hbm>>
      %dma_wait3A_57 = tpu.memref_slice %arg15[%mul3A_45] : memref<10240xf32, #tpu.memory_space<vmem_shared>> -> memref<640xf32, #tpu.memory_space<vmem_shared>>
      tpu.wait_dma2 semaphore(%run_scoped3A_51 : memref<!tpu.dma_semaphore, #tpu.memory_space<semaphore_mem>>) src(%dma_wait3A_57 : memref<640xf32, #tpu.memory_space<vmem_shared>>) dst(%dma_wait3A_56 : memref<640xf32, #tpu.memory_space<hbm>>)
      tpu.yield
    }) : () -> ()
    return
  }
}

module attributes {stable_mosaic.version = 14 : i64} {
  func.func @_final_body(%arg0: i32, %arg1: memref<5120x128xf32, #tpu.memory_space<vmem>>, %arg2: memref<128x128xf32, #tpu.memory_space<vmem>>, %arg3: memref<1x5120xf32, #tpu.memory_space<vmem>>, %arg4: memref<1x5120xf32, #tpu.memory_space<vmem>>, %arg5: memref<5120x128xf32, #tpu.memory_space<vmem>>) attributes {dimension_semantics = [#tpu.dimension_semantics<arbitrary>], iteration_bounds = array<i64: 2>, scalar_prefetch = 0 : i64, scratch_operands = 0 : i64, tpu.core_type = #tpu.core_type<tc>, window_params = [{transform_indices = @transform_0, window_bounds = array<i64: 5120, 128>}, {pipeline_mode = #tpu.pipeline_mode<synchronous>, transform_indices = @transform_1, window_bounds = array<i64: 128, 128>}, {transform_indices = @transform_2, window_bounds = array<i64: 1, 5120>}, {transform_indices = @transform_3, window_bounds = array<i64: 1, 5120>}, {transform_indices = @transform_4, window_bounds = array<i64: 5120, 128>}]} {
    %get3A = arith.constant 0 : index
    %get3A_0 = arith.constant 0 : index
    %get3A_1 = vector.load %arg3[%get3A, %get3A_0] : memref<1x5120xf32, #tpu.memory_space<vmem>>, vector<1x5120xf32>
    %get3A_2 = arith.constant 0 : index
    %get3A_3 = arith.constant 0 : index
    %get3A_4 = vector.load %arg4[%get3A_2, %get3A_3] : memref<1x5120xf32, #tpu.memory_space<vmem>>, vector<1x5120xf32>
    %concatenate3A = tpu.concatenate %get3A_1, %get3A_4 in 0 : vector<1x5120xf32>, vector<1x5120xf32> -> vector<2x5120xf32>
    %broadcast_in_dim3A = arith.constant 1.000000e+00 : f32
    %broadcast_in_dim3A_5 = vector.broadcast %broadcast_in_dim3A : f32 to vector<2x1xf32>
    %dot_general3A = arith.constant dense<0.000000e+00> : vector<5120x1xf32>
    %dot_general3A_6 = tpu.matmul %concatenate3A, %broadcast_in_dim3A_5, %dot_general3A {dimension_numbers = #tpu.dot_dimension_numbers<[0], [0], [1], [1], [0, 1, 1, 1], [], []>, transpose_lhs_hint = false} : vector<2x5120xf32>, vector<2x1xf32>, vector<5120x1xf32> -> vector<5120x1xf32>
    %max3A = arith.constant 1.000000e-10 : f32
    %max3A_7 = vector.broadcast %max3A : f32 to vector<5120x1xf32>
    %max3A_8 = arith.maximumf %dot_general3A_6, %max3A_7 : vector<5120x1xf32>
    %div3A = arith.divf %dot_general3A_6, %max3A_8 : vector<5120x1xf32>
    %get3A_9 = arith.constant 0 : index
    %get3A_10 = arith.constant 0 : index
    %get3A_11 = vector.load %arg1[%get3A_9, %get3A_10] : memref<5120x128xf32, #tpu.memory_space<vmem>>, vector<5120x128xf32>
    %get3A_12 = arith.constant 0 : index
    %get3A_13 = arith.constant 0 : index
    %get3A_14 = vector.load %arg2[%get3A_12, %get3A_13] : memref<128x128xf32, #tpu.memory_space<vmem>>, vector<128x128xf32>
    %dot_general3A_15 = arith.constant dense<0.000000e+00> : vector<5120x128xf32>
    %dot_general3A_16 = tpu.matmul %get3A_11, %get3A_14, %dot_general3A_15 {dimension_numbers = #tpu.dot_dimension_numbers<[1], [1], [0], [0], [0, 0, 1, 0], [], []>, transpose_lhs_hint = false} : vector<5120x128xf32>, vector<128x128xf32>, vector<5120x128xf32> -> vector<5120x128xf32>
    %mul3A = vector.broadcast %div3A : vector<5120x1xf32> to vector<5120x128xf32>
    %mul3A_17 = arith.mulf %dot_general3A_16, %mul3A : vector<5120x128xf32>
    %swap3A = arith.constant 0 : index
    %swap3A_18 = arith.constant 0 : index
    %swap3A_19 = vector.load %arg5[%swap3A, %swap3A_18] : memref<5120x128xf32, #tpu.memory_space<vmem>>, vector<5120x128xf32>
    tpu.vector_store %arg5[%swap3A, %swap3A_18], %mul3A_17 {strides = array<i32>} : memref<5120x128xf32, #tpu.memory_space<vmem>>, vector<5120x128xf32>,
    return
  }
  func.func @transform_0(%arg0: i32) -> (i32, i32) {
    %c0_i32 = arith.constant 0 : i32
    %c0_i32_0 = arith.constant 0 : i32
    return %arg0, %c0_i32 : i32, i32
  }
  func.func @transform_1(%arg0: i32) -> (i32, i32) {
    %c0_i32 = arith.constant 0 : i32
    %c0_i32_0 = arith.constant 0 : i32
    %c0_i32_1 = arith.constant 0 : i32
    return %c0_i32, %c0_i32_0 : i32, i32
  }
  func.func @transform_2(%arg0: i32) -> (i32, i32) {
    %c0_i32 = arith.constant 0 : i32
    %c0_i32_0 = arith.constant 0 : i32
    return %c0_i32, %arg0 : i32, i32
  }
  func.func @transform_3(%arg0: i32) -> (i32, i32) {
    %add3A = arith.constant 2 : i32
    %add3A_0 = arith.addi %add3A, %arg0 : i32
    %c0_i32 = arith.constant 0 : i32
    %c0_i32_1 = arith.constant 0 : i32
    return %c0_i32, %add3A_0 : i32, i32
  }
  func.func @transform_4(%arg0: i32) -> (i32, i32) {
    %c0_i32 = arith.constant 0 : i32
    %c0_i32_0 = arith.constant 0 : i32
    return %arg0, %c0_i32 : i32, i32
  }
}

module attributes {stable_mosaic.version = 14 : i64} {
  func.func @_tc_pre_body(%arg0: i32, %arg1: memref<10000x128xf32, #tpu.memory_space<vmem>>, %arg2: memref<128x128xf32, #tpu.memory_space<vmem>>, %arg3: memref<1x272xf32, #tpu.memory_space<vmem>>, %arg4: memref<16x16xf32, #tpu.memory_space<vmem>>, %arg5: memref<16xf32, #tpu.memory_space<vmem>>, %arg6: memref<2x163840xi32, #tpu.memory_space<vmem>>, %arg7: memref<16x163840xf32, #tpu.memory_space<vmem>>, %arg8: memref<20480xf32, #tpu.memory_space<vmem>>, %arg9: memref<163840xf32, #tpu.memory_space<vmem>>, %arg10: memref<163840xi32, #tpu.memory_space<vmem>>) attributes {dimension_semantics = [#tpu.dimension_semantics<arbitrary>], iteration_bounds = array<i64: 2>, scalar_prefetch = 0 : i64, scratch_operands = 0 : i64, tpu.core_type = #tpu.core_type<tc>, window_params = [{pipeline_mode = #tpu.pipeline_mode<synchronous>, transform_indices = @transform_0, window_bounds = array<i64: 10000, 128>}, {pipeline_mode = #tpu.pipeline_mode<synchronous>, transform_indices = @transform_1, window_bounds = array<i64: 128, 128>}, {pipeline_mode = #tpu.pipeline_mode<synchronous>, transform_indices = @transform_2, window_bounds = array<i64: 1, 272>}, {pipeline_mode = #tpu.pipeline_mode<synchronous>, transform_indices = @transform_3, window_bounds = array<i64: 16, 16>}, {pipeline_mode = #tpu.pipeline_mode<synchronous>, transform_indices = @transform_4, window_bounds = array<i64: 16>}, {transform_indices = @transform_5, window_bounds = array<i64: 2, 163840>}, {transform_indices = @transform_6, window_bounds = array<i64: 16, 163840>}, {pipeline_mode = #tpu.pipeline_mode<synchronous>, transform_indices = @transform_7, window_bounds = array<i64: 20480>}, {transform_indices = @transform_8, window_bounds = array<i64: 163840>}, {transform_indices = @transform_9, window_bounds = array<i64: 163840>}]} {
    %eq3A = arith.constant 0 : i32
    %eq3A_0 = arith.cmpi eq, %arg0, %eq3A : i32
    %convert_element_type3A = arith.extui %eq3A_0 : i1 to i32
    %cond3A = arith.constant 0 : i32
    %cond3A_1 = arith.cmpi ne, %convert_element_type3A, %cond3A : i32
    scf.if %cond3A_1 {
      %get3A_32 = arith.constant 0 : index
      %get3A_33 = arith.constant 0 : index
      %get3A_34 = vector.load %arg3[%get3A_32, %get3A_33] : memref<1x272xf32, #tpu.memory_space<vmem>>, vector<1x128xf32>
      %get3A_35 = arith.constant 0 : index
      %get3A_36 = arith.constant 128 : index
      %get3A_37 = vector.load %arg3[%get3A_35, %get3A_36] : memref<1x272xf32, #tpu.memory_space<vmem>>, vector<1x128xf32>
      %concatenate3A = tpu.concatenate %get3A_34, %get3A_37 in 0 : vector<1x128xf32>, vector<1x128xf32> -> vector<2x128xf32>
      %get3A_38 = arith.constant 0 : index
      %get3A_39 = arith.constant 0 : index
      %get3A_40 = vector.load %arg2[%get3A_38, %get3A_39] : memref<128x128xf32, #tpu.memory_space<vmem>>, vector<128x128xf32>
      %dot_general3A_41 = arith.constant dense<0.000000e+00> : vector<2x128xf32>
      %dot_general3A_42 = tpu.matmul %concatenate3A, %get3A_40, %dot_general3A_41 {dimension_numbers = #tpu.dot_dimension_numbers<[1], [0], [0], [1], [0, 0, 1, 1], [], []>, transpose_lhs_hint = false} : vector<2x128xf32>, vector<128x128xf32>, vector<2x128xf32> -> vector<2x128xf32>
      %get3A_43 = arith.constant 0 : index
      %get3A_44 = arith.constant 0 : index
      %get3A_45 = vector.load %arg1[%get3A_43, %get3A_44] : memref<10000x128xf32, #tpu.memory_space<vmem>>, vector<10000x128xf32>
      %dot_general3A_46 = arith.constant dense<0.000000e+00> : vector<2x10000xf32>
      %dot_general3A_47 = tpu.matmul %dot_general3A_42, %get3A_45, %dot_general3A_46 {dimension_numbers = #tpu.dot_dimension_numbers<[1], [1], [0], [0], [0, 0, 1, 0], [], []>, transpose_lhs_hint = false} : vector<2x128xf32>, vector<10000x128xf32>, vector<2x10000xf32> -> vector<2x10000xf32>
      %slice3A_48 = vector.extract_strided_slice %dot_general3A_47 {offsets = [0, 0], sizes = [1, 10000], strides = [1, 1]} : vector<2x10000xf32> to vector<1x10000xf32>
      %squeeze3A_49 = vector.shape_cast %slice3A_48 : vector<1x10000xf32> to vector<10000xf32>
      %swap3A_50 = arith.constant 0 : index
      %swap3A_51 = vector.load %arg8[%swap3A_50] : memref<20480xf32, #tpu.memory_space<vmem>>, vector<10000xf32>
      tpu.vector_store %arg8[%swap3A_50], %squeeze3A_49 {strides = array<i32>} : memref<20480xf32, #tpu.memory_space<vmem>>, vector<10000xf32>,
      %slice3A_52 = vector.extract_strided_slice %dot_general3A_47 {offsets = [1, 0], sizes = [1, 10000], strides = [1, 1]} : vector<2x10000xf32> to vector<1x10000xf32>
      %squeeze3A_53 = vector.shape_cast %slice3A_52 : vector<1x10000xf32> to vector<10000xf32>
      %swap3A_54 = arith.constant 10240 : index
      %swap3A_55 = vector.load %arg8[%swap3A_54] : memref<20480xf32, #tpu.memory_space<vmem>>, vector<10000xf32>
      tpu.vector_store %arg8[%swap3A_54], %squeeze3A_53 {strides = array<i32>} : memref<20480xf32, #tpu.memory_space<vmem>>, vector<10000xf32>,
    } else {
    }
    %get3A = arith.constant 0 : index
    %get3A_2 = arith.constant 256 : index
    %get3A_3 = vector.load %arg3[%get3A, %get3A_2] : memref<1x272xf32, #tpu.memory_space<vmem>>, vector<1x16xf32>
    %get3A_4 = arith.constant 0 : index
    %get3A_5 = arith.constant 0 : index
    %get3A_6 = vector.load %arg4[%get3A_4, %get3A_5] : memref<16x16xf32, #tpu.memory_space<vmem>>, vector<16x16xf32>
    %dot_general3A = arith.constant dense<0.000000e+00> : vector<1x16xf32>
    %dot_general3A_7 = tpu.matmul %get3A_3, %get3A_6, %dot_general3A {dimension_numbers = #tpu.dot_dimension_numbers<[1], [0], [0], [1], [0, 0, 1, 1], [], []>, transpose_lhs_hint = false} : vector<1x16xf32>, vector<16x16xf32>, vector<1x16xf32> -> vector<1x16xf32>
    %get3A_8 = arith.constant 0 : index
    %get3A_9 = vector.load %arg5[%get3A_8] : memref<16xf32, #tpu.memory_space<vmem>>, vector<16xf32>
    %squeeze3A = vector.shape_cast %get3A_3 : vector<1x16xf32> to vector<16xf32>
    %mul3A = arith.mulf %get3A_9, %squeeze3A : vector<16xf32>
    %reduce_sum3A = vector.shape_cast %mul3A : vector<16xf32> to vector<1x16xf32>
    %reduce_sum3A_10 = arith.constant dense<0.000000e+00> : vector<1xf32>
    %reduce_sum3A_11 = vector.multi_reduction <add>, %reduce_sum3A, %reduce_sum3A_10 [1] : vector<1x16xf32> to vector<1xf32>
    %reduce_sum3A_12 = vector.shape_cast %reduce_sum3A_11 : vector<1xf32> to vector<1x1xf32>
    %reduce_sum3A_13 = vector.extract %reduce_sum3A_12[0, 0] : f32 from vector<1x1xf32>
    %get3A_14 = arith.constant 0 : index
    %get3A_15 = arith.constant 0 : index
    %get3A_16 = vector.load %arg7[%get3A_14, %get3A_15] : memref<16x163840xf32, #tpu.memory_space<vmem>>, vector<16x163840xf32>
    %dot_general3A_17 = arith.constant dense<0.000000e+00> : vector<1x163840xf32>
    %dot_general3A_18 = tpu.matmul %dot_general3A_7, %get3A_16, %dot_general3A_17 {dimension_numbers = #tpu.dot_dimension_numbers<[1], [0], [0], [1], [0, 0, 1, 1], [], []>, transpose_lhs_hint = false} : vector<1x16xf32>, vector<16x163840xf32>, vector<1x163840xf32> -> vector<1x163840xf32>
    %squeeze3A_19 = vector.shape_cast %dot_general3A_18 : vector<1x163840xf32> to vector<163840xf32>
    %add3A = vector.broadcast %reduce_sum3A_13 : f32 to vector<163840xf32>
    %add3A_20 = arith.addf %squeeze3A_19, %add3A : vector<163840xf32>
    %swap3A = arith.constant 0 : index
    %swap3A_21 = vector.load %arg9[%swap3A] : memref<163840xf32, #tpu.memory_space<vmem>>, vector<163840xf32>
    tpu.vector_store %arg9[%swap3A], %add3A_20 {strides = array<i32>} : memref<163840xf32, #tpu.memory_space<vmem>>, vector<163840xf32>,
    %get3A_22 = arith.constant 0 : index
    %get3A_23 = arith.constant 0 : index
    %get3A_24 = vector.load %arg6[%get3A_22, %get3A_23] : memref<2x163840xi32, #tpu.memory_space<vmem>>, vector<2x163840xi32>
    %slice3A = vector.extract_strided_slice %get3A_24 {offsets = [0, 0], sizes = [1, 163840], strides = [1, 1]} : vector<2x163840xi32> to vector<1x163840xi32>
    %squeeze3A_25 = vector.shape_cast %slice3A : vector<1x163840xi32> to vector<163840xi32>
    %slice3A_26 = vector.extract_strided_slice %get3A_24 {offsets = [1, 0], sizes = [1, 163840], strides = [1, 1]} : vector<2x163840xi32> to vector<1x163840xi32>
    %squeeze3A_27 = vector.shape_cast %slice3A_26 : vector<1x163840xi32> to vector<163840xi32>
    %shift_left3A = arith.constant 14 : i32
    %shift_left3A_28 = vector.broadcast %shift_left3A : i32 to vector<163840xi32>
    %shift_left3A_29 = arith.shli %squeeze3A_27, %shift_left3A_28 : vector<163840xi32>
    %or3A = arith.ori %squeeze3A_25, %shift_left3A_29 : vector<163840xi32>
    %swap3A_30 = arith.constant 0 : index
    %swap3A_31 = vector.load %arg10[%swap3A_30] : memref<163840xi32, #tpu.memory_space<vmem>>, vector<163840xi32>
    tpu.vector_store %arg10[%swap3A_30], %or3A {strides = array<i32>} : memref<163840xi32, #tpu.memory_space<vmem>>, vector<163840xi32>,
    return
  }
  func.func @transform_0(%arg0: i32) -> (i32, i32) {
    %c0_i32 = arith.constant 0 : i32
    %c0_i32_0 = arith.constant 0 : i32
    %c0_i32_1 = arith.constant 0 : i32
    return %c0_i32, %c0_i32_0 : i32, i32
  }
  func.func @transform_1(%arg0: i32) -> (i32, i32) {
    %c0_i32 = arith.constant 0 : i32
    %c0_i32_0 = arith.constant 0 : i32
    %c0_i32_1 = arith.constant 0 : i32
    return %c0_i32, %c0_i32_0 : i32, i32
  }
  func.func @transform_2(%arg0: i32) -> (i32, i32) {
    %c0_i32 = arith.constant 0 : i32
    %c0_i32_0 = arith.constant 0 : i32
    %c0_i32_1 = arith.constant 0 : i32
    return %c0_i32, %c0_i32_0 : i32, i32
  }
  func.func @transform_3(%arg0: i32) -> (i32, i32) {
    %c0_i32 = arith.constant 0 : i32
    %c0_i32_0 = arith.constant 0 : i32
    %c0_i32_1 = arith.constant 0 : i32
    return %c0_i32, %c0_i32_0 : i32, i32
  }
  func.func @transform_4(%arg0: i32) -> i32 {
    %c0_i32 = arith.constant 0 : i32
    %c0_i32_0 = arith.constant 0 : i32
    return %c0_i32 : i32
  }
  func.func @transform_5(%arg0: i32) -> (i32, i32) {
    %c0_i32 = arith.constant 0 : i32
    %c0_i32_0 = arith.constant 0 : i32
    return %c0_i32, %arg0 : i32, i32
  }
  func.func @transform_6(%arg0: i32) -> (i32, i32) {
    %c0_i32 = arith.constant 0 : i32
    %c0_i32_0 = arith.constant 0 : i32
    return %c0_i32, %arg0 : i32, i32
  }
  func.func @transform_7(%arg0: i32) -> i32 {
    %c0_i32 = arith.constant 0 : i32
    %c0_i32_0 = arith.constant 0 : i32
    return %c0_i32 : i32
  }
  func.func @transform_8(%arg0: i32) -> i32 {
    %c0_i32 = arith.constant 0 : i32
    return %arg0 : i32
  }
  func.func @transform_9(%arg0: i32) -> i32 {
    %c0_i32 = arith.constant 0 : i32
    return %arg0 : i32
  }
}

</mosaic_0001>

<sc_bundles>
// kernel: kernel.5.cloned.1.call-start
scs
__scs_entry_jumppad:
0x0: {  	(pc) =	sbr.rel $0x88, $3  }
0x1: {  	(tag) =	ssettag $0x0;
	lr =	simm.s32 $0x1  }
0x2: {  	[smem:$0x3F9A] =	sst lr;
	_ =	strace $0xD0000000  }
0x3: {  	_ = 	snop  }
0x4: {  	_ = 	snop  }
0x5: {  	_ = 	snop  }
0x6: {  	_ = 	snop  }
0x7: {  	_ = 	snop  }
__scs_overlays_trampoline_lowered:
0x8: {  	[smem:$0x3FA9] =	sst s0  }
0x9: {  	[smem:$0x3FAA] =	sst s1  }
0xa: {  	[smem:$0x3FAB] =	sst s2  }
0xb: {  	[smem:$0x3FAC] =	sst s3  }
0xc: {  	[smem:$0x3FAD] =	sst s4  }
0xd: {  	[smem:$0x3FAE] =	sst s5  }
0xe: {  	[smem:$0x3FAF] =	sst s6  }
0xf: {  	[smem:$0x3FB0] =	sst s7  }
0x10: {  	[smem:$0x3FB1] =	sst s8  }
0x11: {  	[smem:$0x3FB2] =	sst s9;
	s0 =	simm.s32 @!p0 $0x0  }
0x12: {  	s1 =	sld [smem:$0x3F98];
	s0 =	simm.s32 @p0 $0x1  }
0x13: {  	[smem:$0x3FB3] =	sst s0;
	s0 =	simm.s32 @!p1 $0x0  }
0x14: {  	s2 =	sld [smem:$0x3F97];
	s0 =	simm.s32 @p1 $0x1  }
0x15: {  	[smem:$0x3FB4] =	sst s0;
	s0 =	simm.s32 @!p2 $0x0  }
0x16: {  	s3 =	sld [smem:$0x3FDB];
	s0 =	simm.s32 @p2 $0x1  }
0x17: {  	s4 =	simm.s32 $0x1BF5;
	[smem:$0x3FB6] =	sst s0  }
0x18: {  	s0 =	sld [smem:$0x3F99];
	_ =	swait.ge [sflag:s4], $0x0  }
0x19: {  	s7 =	sld [smem:$0x3F9A]  }
0x1a: {  	s8 =	sadd.s32 $0xFFFFE003, lr  }
0x1b: {  	s9 =	sadd.s32 $0xFFFFFEF7, lr;
	s5 =	simm.s32 $0xFFFFFFFF;
	p2 =	slt.u32 s8, $0xFFFFF086  }
0x1c: {  	p1 =	slt.u32 s9, $0xF7A;
	s5 =	simm.s32 @!p2 $0x0  }
0x1d: {  	s5 =	simm.s32 @p1 $0x1;
	p0 =	seq.s32 s7, s2  }
0x1e: {  	s7 =	smul.u32 @!p0 $0xF7A, s2;
	p2 =	seq.s32 @!p0 s5, $0x0  }
0x1f: {  	s9 =	smul.u32 $0xF7A, s1;
	s8 =	simm.s32 @!p0 $0x1BF5;
	p2 =	por !p2, p0  }
0x20: {  	[sflag:s8] =	ssyncset.s32 @!p0 $0xFFFFF086;
	s6 =	sadd.s32 @!p0 s3, s7;
	s7 =	simm.s32 @!p0 $0x108  }
0x21: {  	s3 =	sadd.s32 s3, s9;
	s6 =	sadd.s32 @!p0 $0x88, s6;
	s7 =	simm.s32 @p2 $0x1082  }
0x22: {  	[simem:s7], [sflag:s8] =	dma.local @!p0 [hbm:s6], $0xF7A  }
0x23: {  	s9 =	sor.u32 $0xD0000000, s2;
	s6 =	simm.s32 $0x108;
	_ =	swait.ge @!p0 [sflag:s8], $0x0  }
0x24: {  	s3 =	sadd.s32 $0x88, s3;
	s6 =	simm.s32 @!p1 $0x1082;
	[sflag:s4] =	ssyncset.s32 $0xFFFFF086  }
0x25: {  	[simem:s6], [sflag:s4] =	dma.local [hbm:s3], $0xF7A  }
0x26: {  	[smem:$0x3F9A] =	sst s1;
	(tag) =	ssettag s2;
	_ =	strace s9  }
0x27: {  	s1 =	sld [smem:$0x3FAA]  }
0x28: {  	s2 =	sld [smem:$0x3FAB]  }
0x29: {  	s4 =	sld [smem:$0x3FAD]  }
0x2a: {  	p0 =	seq.s32 s5, $0x0;
	s5 =	sld [smem:$0x3FAE]  }
0x2b: {  	s6 =	sld [smem:$0x3FAF]  }
0x2c: {  	s7 =	sld [smem:$0x3FB0]  }
0x2d: {  	s3 =	simm.s32 $0x108;
	s8 =	sld [smem:$0x3FB1]  }
0x2e: {  	s3 =	simm.s32 @!p0 $0x1082;
	s9 =	sld [smem:$0x3FB2]  }
0x2f: {  	lr =	sadd.s32 s0, s3;
	s0 =	sld [smem:$0x3FA9]  }
0x30: {  	s3 =	sld [smem:$0x3FAC]  }
0x31: {  	[smem:$0x3FB5] =	sst s10  }
0x32: {  	s10 =	sld [smem:$0x3FB3];
	_ =	sdelay $0x3  }
0x33: {  	p0 =	seq.s32 s10, $0x1;
	s10 =	sld [smem:$0x3FB5];
	_ =	sdelay $0x3  }
0x34: {  	[smem:$0x3FB5] =	sst s10  }
0x35: {  	s10 =	sld [smem:$0x3FB4];
	_ =	sdelay $0x3  }
0x36: {  	p1 =	seq.s32 s10, $0x1;
	s10 =	sld [smem:$0x3FB5];
	_ =	sdelay $0x3  }
0x37: {  	[smem:$0x3FB5] =	sst s10  }
0x38: {  	s10 =	sld [smem:$0x3FB6]  }
0x39: {  	_ = 	snop;
	(pc) =	sbr.ind lr, $3  }
0x3a: {  	_ = 	snop  }
0x3b: {  	_ = 	snop  }
0x3c: {  	p2 =	seq.s32 s10, $0x1;
	s10 =	sld [smem:$0x3FB5]  }
0x3d: {  	_ =	shalt  }
0x3e: {  	_ =	shalt  }
0x3f: {  	_ =	shalt  }
0x40: {  	_ =	shalt  }
0x41: {  	_ =	shalt  }
0x42: {  	_ =	shalt  }
0x43: {  	_ =	shalt  }
0x44: {  	_ =	shalt  }
0x45: {  	_ =	shalt  }
0x46: {  	_ =	shalt  }
0x47: {  	_ =	shalt  }
0x48: {  	_ =	shalt  }
0x49: {  	_ =	shalt  }
0x4a: {  	_ =	shalt  }
0x4b: {  	_ =	shalt  }
0x4c: {  	_ =	shalt  }
0x4d: {  	_ =	shalt  }
0x4e: {  	_ =	shalt  }
0x4f: {  	_ =	shalt  }
0x50: {  	_ =	shalt  }
0x51: {  	_ =	shalt  }
0x52: {  	_ =	shalt  }
0x53: {  	_ =	shalt  }
0x54: {  	_ =	shalt  }
0x55: {  	_ =	shalt  }
0x56: {  	_ =	shalt  }
0x57: {  	_ =	shalt  }
0x58: {  	_ =	shalt  }
0x59: {  	_ =	shalt  }
0x5a: {  	_ =	shalt  }
0x5b: {  	_ =	shalt  }
0x5c: {  	_ =	shalt  }
0x5d: {  	_ =	shalt  }
0x5e: {  	_ =	shalt  }
0x5f: {  	_ =	shalt  }
0x60: {  	_ =	shalt  }
0x61: {  	_ =	shalt  }
0x62: {  	_ =	shalt  }
0x63: {  	_ =	shalt  }
0x64: {  	_ =	shalt  }
0x65: {  	_ =	shalt  }
0x66: {  	_ =	shalt  }
0x67: {  	_ =	shalt  }
0x68: {  	_ =	shalt  }
0x69: {  	_ =	shalt  }
0x6a: {  	_ =	shalt  }
0x6b: {  	_ =	shalt  }
0x6c: {  	_ =	shalt  }
0x6d: {  	_ =	shalt  }
0x6e: {  	_ =	shalt  }
0x6f: {  	_ =	shalt  }
0x70: {  	_ =	shalt  }
0x71: {  	_ =	shalt  }
0x72: {  	_ =	shalt  }
0x73: {  	_ =	shalt  }
0x74: {  	_ =	shalt  }
0x75: {  	_ =	shalt  }
0x76: {  	_ =	shalt  }
0x77: {  	_ =	shalt  }
0x78: {  	_ =	shalt  }
0x79: {  	_ =	shalt  }
0x7a: {  	_ =	shalt  }
0x7b: {  	_ =	shalt  }
0x7c: {  	_ =	shalt  }
0x7d: {  	_ =	shalt  }
0x7e: {  	_ =	shalt  }
0x7f: {  	_ =	shalt  }
0x80: {  	_ =	shalt  }
0x81: {  	_ =	shalt  }
0x82: {  	_ =	shalt  }
0x83: {  	_ =	shalt  }
0x84: {  	_ =	shalt  }
0x85: {  	_ =	shalt  }
0x86: {  	_ =	shalt  }
0x87: {  	_ =	shalt  }
.Lfunc_end0:
.L_simem_size_0:
called_computation_lowered:
.L_overlay_start_0:
0x88: {  	s2 =	sld [smem:$0x3FD9]  }
0x89: {  	s3 =	sld [smem:$0x3FFE];
	_ =	sdelay $0x1  }
0x8a: {  	s1 =	srdreg.scid  }
0x8b: {  	s0 =	sand.u32 $0x1, s1  }
0x8c: {  	s17 =	sshll.u32 s0, $0xA;
	s2 =	sadd.s32 s3, s2  }
0x8d: {  	s2 =	sadd.s32 s2, s17  }
0x8e: {  	[smem:$0x3FC1] =	sst s2  }
0x8f: {  	_ = 	snop  }
0x90: {  	s2 =	sld [smem:$0x3FD0];
	(tm) =	ssettm $0x1  }
0x91: {  	s18 =	sld [smem:$0x3FFB];
	_ =	sdelay $0x3  }
0x92: {  	_ =	strace s18  }
0x93: {  	s3 =	sld [smem:$0x3FFC];
	_ =	sdelay $0x3  }
0x94: {  	_ =	strace s3  }
0x95: {  	s3 =	sld [smem:$0x3FFD];
	_ =	sdelay $0x3  }
0x96: {  	_ =	strace s3  }
0x97: {  	_ =	strace $0x8FFFFFFF  }
0x98: {  	s19 =	sld [smem:$0x3FDB];
	_ =	sdelay $0x1  }
0x99: {  	s4 =	simm.s32 $_scs_section_size  }
0x9a: {  	s5 =	simm.s32 $_size__tile_overlayer_lowered;
	s6 =	simm.s32 $_tile_overlayer_lowered  }
0x9b: {  	s22 =	simm.s32 $0x1BFF;
	s21 =	sshll.u32 s6, $0x1;
	s3 =	sadd.s32 s4, s19  }
0x9c: {  	s7 =	simm.s32 $0x0;
	s20 =	sshll.u32 s5, $0x1;
	s5 =	sadd.s32 s21, s3  }
0x9d: {  	[timem:s7], [sflag:s22] =	dma.local [hbm:s5], s20  }
0x9e: {  	_ =	swait.ge [sflag:s22], s20  }
0x9f: {  	s4 =	ssub.s32 $0x0, s20;
	[sflag:s22] =	ssyncset.done $0x0  }
0xa0: {  	[sflag:s22] =	ssyncadd.s32 s4;
	_ =	sdelay $0x1  }
0xa1: {  	s23 =	simm.s32 $0x1B8B  }
0xa2: {  	_ =	swait.ge [sflag:s23], $0x1  }
0xa3: {  	[sflag:s23] =	ssyncset.done $0x0  }
0xa4: {  	s25 =	simm.s32 $0x1B8E;
	s24 =	sld [smem:$0x3FFE];
	[sflag:s23] =	ssyncadd.s32 $0xFFFFFFFF  }
0xa5: {  	s26 =	simm.s32 $execute0_lowered;
	[smem:$0x3FD2] =	sst s25  }
0xa6: {  	s5 =	sshll.u32 s26, $0x1;
	_ =	strace $0x80000046;
	[dreg:$0x1] =	wrdreg $0xFFFFFFFF  }
0xa7: {  	s28 =	simm.s32 $_size_execute0_lowered;
	s3 =	sadd.s32 s3, s5;
	[dreg:$0x0] =	wrdreg $0x0  }
0xa8: {  	s5 =	sshll.u32 s28, $0x1;
	[dreg:$0x2] =	wrdreg s3  }
0xa9: {  	[dreg:$0x3] =	wrdreg s5  }
0xaa: {  	[dreg:$0x4] =	wrdreg $0xC0  }
0xab: {  	_ =	task [dreg:s7], $0x5FFFF  }
0xac: {  	[dreg:$0x1] =	wrdreg $0xFFFFFFFF  }
0xad: {  	[dreg:$0x0] =	wrdreg $0x60  }
0xae: {  	[dreg:$0x2] =	wrdreg s2  }
0xaf: {  	[dreg:$0x3] =	wrdreg s24  }
0xb0: {  	[dreg:$0x4] =	wrdreg $0xECE00  }
0xb1: {  	[dreg:$0x5] =	wrdreg $0x9  }
0xb2: {  	_ =	task.clear_ibuf [dreg:s7], $0x6FFFF;
	_ =	strace $0x90000046  }
0xb3: {  	s29 =	simm.s32 $0x9;
	_ =	strace $0x80000048  }
0xb4: {  	_ =	swait.ge [sflag:s29], $0x1  }
0xb5: {  	[sflag:s29] =	ssyncadd.s32 $0xFFFFFFFF  }
0xb6: {  	_ =	strace $0x90000048  }
0xb7: {  	_ =	sfence  }
0xb8: {  	s30 =	sld [smem:$0x0];
	_ =	sdelay $0x2  }
0xb9: {  	s31 =	sshll.u32 s1, $0xD;
	s1 =	sshrl.u32 s1, $0x2  }
0xba: {  	s3 =	sand.u32 $0x4000, s31;
	s1 =	sadd.s32 s1, s30  }
0xbb: {  	s0 =	sor.u32 s3, s0;
	s1 =	sshll.u32 s1, $0x11  }
0xbc: {  	s0 =	sor.u32 s1, s0  }
0xbd: {  	s0 =	sadd.s32 $0x8F2B, s0  }
0xbe: {  	[sflag:s0] =	ssyncadd.remote.s32 $0x1  }
0xbf: {  	_ =	sfence.sel $0xFFFF  }
0xc0: {  	[dreg:$0x0] =	wrdreg $0xFFFFFFFF;
	(pc) =	sbr.abs _section_cstart, $3  }
0xc1: {  	[dreg:$0x1] =	wrdreg $0xFFFFFFFF  }
0xc2: {  	_ =	task.clear_ibuf [dreg:s7], $0x2FFFF;
	_ =	strace $0x9FFFFFFF  }
0xc3: {  	(tm) =	ssettm $0x7FFFFFFF  }
tec
execute0_lowered:
.L_overlay_start_1:
0x0: {  	(tag) =	ssettag $0x1  }
0x1: {  	s5 =	rddreg [dreg:$0x0]  }
0x2: {  	s7 =	rddreg [dreg:$0x1]  }
0x3: {  	s2 =	rddreg [dreg:$0x2]  }
0x4: {  	s0 =	rddreg [dreg:$0x3]  }
0x5: {  	s3 =	srdreg.scid;
	s1 =	stileid.u32;
	s13 =	simm.s32 $0xC350  }
0x6: {  	s14 =	simm.s32 $0xEA60;
	s15 =	simm.s32 $0x3;
	s16 =	simm.s32 $0x1  }
0x7: {  	s17 =	simm.s32 $0x1400;
	s18 =	simm.s32 $0x4E20;
	s19 =	simm.s32 $0x7530  }
0x8: {  	s20 =	simm.s32 $0x1310;
	s21 =	simm.s32 $0x6220;
	s22 =	simm.s32 $0x8930  }
0x9: {  	s23 =	simm.s32 $0x2;
	s24 =	simm.s32 $0x0;
	s4 =	sand.u32 $0x1, s3  }
0xa: {  	s6 =	sshll.u32 s1, $0x1;
	s8 =	smul.u32 $0x280, s1;
	s3 =	simm.s32 $0x0  }
0xb: {  	s6 =	sor.u32 s4, s6;
	s9 =	smul.u32 $0x2800, s4;
	[smem:$0x7FF] =	sst s3  }
0xc: {  	s11 =	ssub.s32 $0x2, s4;
	s4 =	sadd.s32 $0xBA00, s7;
	s6 =	smul.u32 $0x4E2, s6  }
0xd: {  	_ =	strace $0x80000047;
	s12 =	sshrl.u32 s11, $0x1;
	s9 =	sadd.s32 s8, s9  }
0xe: {  	s11 =	ssub.s32 s11, s12;
	s8 =	sadd.s32 s8, s2;
	s12 =	simm.s32 $0x9C40  }
0xf: {  	s10 =	sadd.s32 s6, s7;
	s9 =	sshrl.u32 s9, $0x3;
	s5 =	sadd.s32 s5, s6  }
0x10: {  	s9 =	sadd.s32 s9, s7;
	s6 =	sadd.s32 $0x1C00, s10;
	s7 =	sadd.s32 $0xBF00, s7  }
0x11: {  	v0 =	vimm.f32 $0.0e+00;
	s10 =	smax.u32 s11, $0x1;
	s11 =	simm.s32 $0x2710;
	s9 =	sadd.s32 $0xC400, s9  }
.LBB2_1:
0x12: {  	[tilespmem:s3], [sflag:$0x1] =	stream.linear.gather [hbm4b:s5+s3], $0x2710, $0x38;
	[tilespmem:$0xEF60] =	vst v63  }
0x13: {  	_ = 	snop  }
0x14: {  	[tilespmem:s11], [sflag:$0x1] =	stream.linear.gather [hbm4b:s6+s3], $0x2710, $0x38;
	[tilespmem:$0xEF60] =	vst v63  }
0x15: {  	_ = 	snop  }
0x16: {  	[tilespmem:s12], [sflag:$0x1] =	stream.linear.gather [hbm4b:s4+s3], $0x2710, $0x38;
	[tilespmem:$0xEF60] =	vst v63  }
0x17: {  	_ = 	snop  }
0x18: {  	[tilespmem:s13], [sflag:$0x1] =	stream.linear.gather [hbm4b:s7+s3], $0x2710, $0x38;
	[tilespmem:$0xEF60] =	vst v63  }
0x19: {  	s25 =	simm.s32 $0x0;
	s26 =	simm.s32 $0xEA60;
	[tilespmem:s14+$0x0] =	vst v0  }
.LBB2_2:
0x1a: {  	s25 =	sadd.s32 $0x10, s25  }
0x1b: {  	p0 =	slt.u32 s25, $0x270  }
.Ltmp0:
0x1c: {  	_ = 	snop;
	(pc) =	sbr.rel @p0 .LBB2_2-.Ltmp0, $3  }
0x1d: {  	_ =	sdelay $0x1  }
0x1e: {  	s26 =	sadd.s32 $0x10, s26  }
0x1f: {  	[tilespmem:s26+$0x0] =	vst v0  }
0x20: {  	[spmem:s8] =	stream.linear.scatter [tilespmem:s14], [sflag:$0x3], $0x280, $0x38;
	[tilespmem:$0xEF60] =	vst v63  }
0x21: {  	_ =	swait.ge [sflag:s15], $0x280  }
0x22: {  	[sflag:s15] =	ssyncset.done $0x0  }
0x23: {  	[sflag:s15] =	ssyncadd.s32 $0xFFFFFD80  }
0x24: {  	[bflag:$0x0] =	sbarrier.arrive $0xFFFF  }
0x25: {  	_ =	swait.ge [sflag:s16], $0x2710  }
0x26: {  	[sflag:s16] =	ssyncset.done $0x0  }
0x27: {  	[sflag:s16] =	ssyncadd.s32 $0xFFFFD8F0  }
0x28: {  	_ =	swait.ge [sflag:s16], $0x2710  }
0x29: {  	[sflag:s16] =	ssyncset.done $0x0  }
0x2a: {  	[sflag:s16] =	ssyncadd.s32 $0xFFFFD8F0  }
0x2b: {  	_ =	swait.ge [sflag:s16], $0x2710  }
0x2c: {  	[sflag:s16] =	ssyncset.done $0x0  }
0x2d: {  	[sflag:s16] =	ssyncadd.s32 $0xFFFFD8F0  }
0x2e: {  	_ =	swait.ge [sflag:s16], $0x2710  }
0x2f: {  	[sflag:s16] =	ssyncset.done $0x0  }
0x30: {  	s25 =	simm.s32 $0x40;
	[sflag:s16] =	ssyncadd.s32 $0xFFFFD8F0  }
0x31: {  	v1 =	vld [tilespmem:s25+$0x30]  }
0x32: {  	v2 =	vld [tilespmem:s25+$0xFFFFFFD0]  }
0x33: {  	v3 =	vld [tilespmem:s25+$0xFFFFFFE0]  }
0x34: {  	v4 =	vld [tilespmem:s25+$0xFFFFFFF0]  }
0x35: {  	v6 =	vld [tilespmem:s25+$0x0]  }
0x36: {  	v7 =	vld [tilespmem:s25+$0xFFFFFFC0]  }
0x37: {  	s26 =	simm.s32 $0xC0;
	v8 =	vld [tilespmem:s25+$0x10]  }
0x38: {  	v30 =	vld [tilespmem:s26+$0x30]  }
0x39: {  	v31 =	vld [tilespmem:s26+$0xFFFFFFE0]  }
0x3a: {  	v33 =	vld [tilespmem:s26+$0xFFFFFFF0]  }
0x3b: {  	v34 =	vld [tilespmem:s26+$0x0]  }
0x3c: {  	v42 =	vld [tilespmem:s26+$0x20]  }
0x3d: {  	v35 =	vld [tilespmem:s26+$0xFFFFFFC0];
	v5 =	vand.u32 $0x3FFF, v1  }
0x3e: {  	v15 =	vshrl.u32 v1, $0xE;
	v1 =	vand.u32 $0x3FFF, v2;
	v10 =	vshrl.u32 v2, $0xE;
	v2 =	vld [tilespmem:s25+$0x20];
	s25 =	simm.s32 $0x2750  }
0x3f: {  	v18 =	vld [tilespmem:s25+$0x30]  }
0x40: {  	v26 =	vld [tilespmem:s25+$0xFFFFFFC0]  }
0x41: {  	v27 =	vld [tilespmem:s25+$0xFFFFFFD0]  }
0x42: {  	v28 =	vld [tilespmem:s25+$0xFFFFFFE0]  }
0x43: {  	v11 =	vand.u32 $0x3FFF, v3;
	v29 =	vld [tilespmem:s25+$0xFFFFFFF0]  }
0x44: {  	v9 =	vshrl.u32 v3, $0xE;
	v5 =	vld.idx.msk [tilespmem:v5+s12+$0x0], $0xffff  }
0x45: {  	v12 =	vand.u32 $0x3FFF, v7;
	v3 =	vld.idx.msk [tilespmem:v15+s13+$0x0], $0xffff  }
0x46: {  	v16 =	vshrl.u32 v7, $0xE;
	v1 =	vld.idx.msk [tilespmem:v1+s12+$0x0], $0xffff  }
0x47: {  	v17 =	vand.u32 $0x3FFF, v4;
	v7 =	vld.idx.msk [tilespmem:v10+s13+$0x0], $0xffff  }
0x48: {  	v14 =	vshrl.u32 v4, $0xE;
	v4 =	vld.idx.msk [tilespmem:v11+s12+$0x0], $0xffff  }
0x49: {  	v19 =	vand.u32 $0x3FFF, v6;
	v20 =	vld.idx.msk [tilespmem:v9+s13+$0x0], $0xffff  }
0x4a: {  	v13 =	vshrl.u32 v6, $0xE;
	v6 =	vld.idx.msk [tilespmem:v12+s12+$0x0], $0xffff  }
0x4b: {  	v21 =	vand.u32 $0x3FFF, v8;
	v22 =	vld.idx.msk [tilespmem:v16+s13+$0x0], $0xffff  }
0x4c: {  	v12 =	vshrl.u32 v8, $0xE;
	v8 =	vld.idx.msk [tilespmem:v17+s12+$0x0], $0xffff  }
0x4d: {  	v17 =	vand.u32 $0x3FFF, v2;
	v23 =	vld.idx.msk [tilespmem:v14+s13+$0x0], $0xffff  }
0x4e: {  	v11 =	vshrl.u32 v2, $0xE;
	v2 =	vld.idx.msk [tilespmem:v19+s12+$0x0], $0xffff  }
0x4f: {  	v19 =	vld.idx.msk [tilespmem:v13+s13+$0x0], $0xffff;
	v3 =	vadd.f32 v3, v5  }
0x50: {  	v46 =	vand.u32 $0x3FFF, v31;
	v49 =	vand.u32 $0x3FFF, v35;
	v21 =	vld.idx.msk [tilespmem:v21+s12+$0x0], $0xffff  }
0x51: {  	v52 =	vand.u32 $0x3FFF, v33;
	v53 =	vand.u32 $0x3FFF, v34;
	v24 =	vld.idx.msk [tilespmem:v12+s13+$0x0], $0xffff;
	v3 =	vadd.f32 v18, v3  }
0x52: {  	v55 =	vand.u32 $0x3FFF, v42;
	v17 =	vld.idx.msk [tilespmem:v17+s12+$0x0], $0xffff;
	v7 =	vadd.f32 v7, v1;
	v4 =	vadd.f32 v20, v4  }
0x53: {  	v25 =	vld.idx.msk [tilespmem:v11+s13+$0x0], $0xffff;
	v22 =	vadd.f32 v22, v6;
	v6 =	vshrl.u32 v30, $0xE;
	v32 =	vmul.f32 $2.000000030e-01, v3  }
0x54: {  	v5 =	vld [tilespmem:s25+$0x0];
	v8 =	vadd.f32 v23, v8;
	v19 =	vadd.f32 v19, v2;
	v2 =	vshrl.u32 v31, $0xE  }
0x55: {  	v44 =	vld [tilespmem:s25+$0x20];
	v22 =	vadd.f32 v26, v22;
	v7 =	vadd.f32 v27, v7;
	v1 =	vmax.f32 v3, v32  }
0x56: {  	v18 =	vld [tilespmem:s26+$0xFFFFFFD0];
	v4 =	vadd.f32 v28, v4;
	v3 =	vand.u32 $0x3FFF, v30;
	v1 =	vmin.f32 v1, $3.000000000e+01  }
0x57: {  	v20 =	vld [tilespmem:s26+$0x10];
	v29 =	vadd.f32 v29, v8;
	v8 =	vshrl.u32 v35, $0xE;
	v43 =	vmul.f32 $1.442695020e+00, v1  }
0x58: {  	v57 =	vld.idx.msk [tilespmem:v52+s12+$0x0], $0xffff;
	v45 =	vmul.f32 $2.000000030e-01, v22;
	v50 =	vmul.f32 $2.000000030e-01, v4;
	v21 =	vadd.f32 v24, v21  }
0x59: {  	v60 =	vld.idx.msk [tilespmem:v53+s12+$0x0], $0xffff;
	v17 =	vadd.f32 v25, v17;
	v19 =	vadd.f32 v5, v19;
	(erf) = vpow2.f32 v43  }
0x5a: {  	v48 =	vld.idx.msk [tilespmem:v6+s13+$0x0], $0xffff;
	v5 =	vmul.f32 $2.000000030e-01, v29;
	v22 =	vmax.f32 v22, v45;
	v30 =	vmax.f32 v4, v50  }
0x5b: {  	v4 =	vshrl.u32 v34, $0xE;
	v23 =	vand.u32 $0x3FFF, v18;
	v37 =	vmul.f32 $2.000000030e-01, v19;
	v47 =	vld.idx.msk [tilespmem:v3+s12+$0x0], $0xffff  }
0x5c: {  	s28 =	simm.s32 $0x4E60;
	v29 =	vmax.f32 v29, v5;
	v5 =	vshrl.u32 v20, $0xE;
	v1 =	vshrl.u32 v18, $0xE;
	v18 =	vld [tilespmem:s25+$0x10];
	s25 =	simm.s32 $0x27D0  }
0x5d: {  	[tilespmem:s28+$0xFFFFFFC0] =	vst v16;
	v20 =	vand.u32 $0x3FFF, v20;
	v22 =	vmin.f32 v22, $3.000000000e+01;
	v17 =	vadd.f32 v44, v17;
	v36 =	vld [tilespmem:s25+$0x30]  }
0x5e: {  	[tilespmem:s28+$0xFFFFFFD0] =	vst v10;
	v10 =	vld.idx.msk [tilespmem:v55+s12+$0x0], $0xffff;
	v22 =	vmul.f32 $1.442695020e+00, v22;
	v16 =	vmin.f32 v29, $3.000000000e+01;
	v19 =	vmax.f32 v19, v37  }
0x5f: {  	v26 =	vld.idx.msk [tilespmem:v46+s12+$0x0], $0xffff;
	v63 =	vmul.f32 $1.442695020e+00, v16;
	v19 =	vmin.f32 v19, $3.000000000e+01;
	v3 =	vmul.f32 $2.000000030e-01, v7  }
0x60: {  	v54 =	vld.idx.msk [tilespmem:v2+s13+$0x0], $0xffff;
	(erf) = vpow2.f32 v22;
	v22 =	vmul.f32 $2.000000030e-01, v17;
	v27 =	vadd.f32 v48, v47  }
0x61: {  	[tilespmem:s28+$0xFFFFFFE0] =	vst v9;
	v56 =	vld.idx.msk [tilespmem:v8+s13+$0x0], $0xffff;
	v9 =	vmul.f32 $1.442695020e+00, v19;
	v7 =	vmax.f32 v7, v3;
	v18 =	vadd.f32 v18, v21  }
0x62: {  	[tilespmem:s28+$0x30] =	vst v15;
	s26 =	simm.s32 $0x7570;
	v23 =	vld.idx.msk [tilespmem:v23+s12+$0x0], $0xffff;
	v3 =	vshrl.u32 v33, $0xE;
	v7 =	vmin.f32 v7, $3.000000000e+01;
	v27 =	vadd.f32 v36, v27;
	v15 =	vpop (erf)  }
0x63: {  	v62 =	vld.idx.msk [tilespmem:v20+s12+$0x0], $0xffff;
	v58 =	vmul.f32 $1.442695020e+00, v7;
	v38 =	vmul.f32 $2.000000030e-01, v18;
	[tilespmem:s26+$0x30] =	vst v15;
	v15 =	vmin.f32 v30, $3.000000000e+01  }
0x64: {  	v51 =	vld.idx.msk [tilespmem:v1+s13+$0x0], $0xffff;
	v17 =	vmax.f32 v17, v22;
	v22 =	vmul.f32 $2.000000030e-01, v27;
	v20 =	vmul.f32 $1.442695020e+00, v15  }
0x65: {  	v61 =	vld.idx.msk [tilespmem:v4+s13+$0x0], $0xffff;
	v7 =	vshrl.u32 v42, $0xE;
	v18 =	vmax.f32 v18, v38;
	(erf) = vpow2.f32 v58  }
0x66: {  	v21 =	vld.idx.msk [tilespmem:v49+s12+$0x0], $0xffff;
	v18 =	vmin.f32 v18, $3.000000000e+01;
	v22 =	vmax.f32 v27, v22;
	(erf) = vpow2.f32 v20  }
0x67: {  	[tilespmem:s28+$0xFFFFFFF0] =	vst v14;
	v59 =	vld.idx.msk [tilespmem:v3+s13+$0x0], $0xffff;
	v14 =	vmul.f32 $1.442695020e+00, v18;
	v19 =	vmin.f32 v22, $3.000000000e+01;
	(erf) = vpow2.f32 v63  }
0x68: {  	[tilespmem:s28+$0x0] =	vst v13;
	v13 =	vmin.f32 v17, $3.000000000e+01;
	v18 =	vld [tilespmem:s25+$0xFFFFFFC0];
	v17 =	vmul.f32 $1.442695020e+00, v19;
	(erf) = vpow2.f32 v9  }
0x69: {  	v15 =	vadd.f32 v51, v23;
	v23 =	vld.idx.msk [tilespmem:v5+s13+$0x0], $0xffff;
	v9 =	vmul.f32 $1.442695020e+00, v13;
	(erf) = vpow2.f32 v14  }
0x6a: {  	v16 =	vld.idx.msk [tilespmem:v7+s13+$0x0], $0xffff;
	(erf) = vpow2.f32 v17  }
0x6b: {  	v19 =	vld [tilespmem:s25+$0xFFFFFFD0];
	(erf) = vpow2.f32 v9  }
0x6c: {  	[tilespmem:s28+$0x10] =	vst v12;
	v12 =	vadd.f32 v54, v26;
	v20 =	vld [tilespmem:s25+$0xFFFFFFE0]  }
0x6d: {  	[tilespmem:s28+$0x20] =	vst v11;
	v11 =	vadd.f32 v59, v57;
	v22 =	vpop (erf);
	v14 =	vadd.f32 v56, v21;
	v21 =	vld [tilespmem:s25+$0xFFFFFFF0]  }
0x6e: {  	s30 =	simm.s32 $0x80;
	s31 =	simm.s32 $0x140;
	s29 =	simm.s32 $0x7570;
	v13 =	vadd.f32 v61, v60;
	[tilespmem:s26+$0xFFFFFFC0] =	vst v22;
	v22 =	vpop (erf);
	v17 =	vld [tilespmem:s25+$0x0];
	v9 =	vadd.f32 v23, v62  }
.LBB2_4:
0x6f: {  	v23 =	vld [tilespmem:s31+$0x30];
	v14 =	vadd.f32 v18, v14;
	v10 =	vadd.f32 v16, v10;
	[tilespmem:s26+$0xFFFFFFD0] =	vst v22;
	v16 =	vpop (erf)  }
0x70: {  	s30 =	sadd.s32 $0x80, s30;
	v18 =	vld [tilespmem:s31+$0xFFFFFFD0];
	v15 =	vadd.f32 v19, v15;
	[tilespmem:s26+$0xFFFFFFE0] =	vst v16;
	v16 =	vpop (erf)  }
0x71: {  	p0 =	slt.u32 s30, $0x1380;
	v19 =	vld [tilespmem:s31+$0xFFFFFFE0];
	v22 =	vmul.f32 $2.000000030e-01, v14;
	v12 =	vadd.f32 v20, v12;
	[tilespmem:s26+$0xFFFFFFF0] =	vst v16;
	v16 =	vpop (erf)  }
0x72: {  	s28 =	sadd.s32 $0x80, s28;
	v20 =	vld [tilespmem:s31+$0xFFFFFFF0];
	v24 =	vmul.f32 $2.000000030e-01, v15;
	v11 =	vadd.f32 v21, v11;
	[tilespmem:s26+$0x0] =	vst v16;
	v16 =	vpop (erf)  }
0x73: {  	s26 =	sadd.s32 $0x80, s26;
	v21 =	vld [tilespmem:s31+$0x0];
	v14 =	vmax.f32 v14, v22;
	v22 =	vmul.f32 $2.000000030e-01, v12;
	v13 =	vadd.f32 v17, v13;
	[tilespmem:s28+$0x30] =	vst v6;
	v6 =	vpop (erf)  }
0x74: {  	v17 =	vld [tilespmem:s31+$0x10];
	v25 =	vand.u32 $0x3FFF, v23;
	v15 =	vmax.f32 v15, v24;
	v24 =	vmul.f32 $2.000000030e-01, v11;
	[tilespmem:s26+$0x30] =	vst v6;
	v26 =	vpop (erf)  }
0x75: {  	v6 =	vshrl.u32 v23, $0xE;
	v27 =	vshrl.u32 v18, $0xE;
	v18 =	vand.u32 $0x3FFF, v18;
	v28 =	vld [tilespmem:s31+$0x20];
	[tilespmem:s29+$0x10] =	vst v16  }
0x76: {  	v16 =	vld [tilespmem:s31+$0xFFFFFFC0];
	v23 =	vshrl.u32 v19, $0xE;
	v19 =	vand.u32 $0x3FFF, v19;
	[tilespmem:s28+$0xFFFFFFC0] =	vst v8;
	v8 =	vmul.f32 $2.000000030e-01, v13  }
0x77: {  	v12 =	vmax.f32 v12, v22;
	v29 =	vshrl.u32 v20, $0xE;
	v20 =	vand.u32 $0x3FFF, v20;
	[tilespmem:s28+$0xFFFFFFD0] =	vst v1;
	v22 =	vld [tilespmem:s25+$0x10];
	v1 =	vmovc v27  }
0x78: {  	v11 =	vmax.f32 v11, v24;
	v27 =	vshrl.u32 v21, $0xE;
	v21 =	vand.u32 $0x3FFF, v21;
	[tilespmem:s28+$0xFFFFFFE0] =	vst v2;
	v24 =	vld [tilespmem:s25+$0x20];
	v2 =	vmovc v23  }
0x79: {  	v13 =	vmax.f32 v13, v8;
	v23 =	vshrl.u32 v17, $0xE;
	v17 =	vand.u32 $0x3FFF, v17;
	v25 =	vld.idx.msk [tilespmem:v25+s12+$0x0], $0xffff;
	[tilespmem:s29+$0x20] =	vst v26;
	s29 =	smov.u32 s26  }
0x7a: {  	v14 =	vmin.f32 v14, $3.000000000e+01;
	v26 =	vshrl.u32 v28, $0xE;
	v28 =	vand.u32 $0x3FFF, v28;
	v30 =	vld.idx.msk [tilespmem:v6+s13+$0x0], $0xffff;
	[tilespmem:s28+$0xFFFFFFF0] =	vst v3;
	v3 =	vmovc v29  }
0x7b: {  	v15 =	vmin.f32 v15, $3.000000000e+01;
	v8 =	vshrl.u32 v16, $0xE;
	v16 =	vand.u32 $0x3FFF, v16;
	v18 =	vld.idx.msk [tilespmem:v18+s12+$0x0], $0xffff;
	[tilespmem:s28+$0x0] =	vst v4;
	v4 =	vmovc v27  }
0x7c: {  	v12 =	vmin.f32 v12, $3.000000000e+01;
	v11 =	vmin.f32 v11, $3.000000000e+01;
	s25 =	sadd.s32 $0x80, s25;
	v27 =	vld.idx.msk [tilespmem:v1+s13+$0x0], $0xffff;
	v9 =	vadd.f32 v22, v9;
	[tilespmem:s28+$0x10] =	vst v5;
	v5 =	vmovc v23  }
0x7d: {  	v14 =	vmul.f32 $1.442695020e+00, v14;
	v13 =	vmin.f32 v13, $3.000000000e+01;
	v22 =	vld [tilespmem:s25+$0x30];
	v10 =	vadd.f32 v24, v10;
	[tilespmem:s28+$0x20] =	vst v7;
	v7 =	vmovc v26  }
0x7e: {  	v23 =	vmul.f32 $1.442695020e+00, v15;
	v19 =	vld.idx.msk [tilespmem:v19+s12+$0x0], $0xffff;
	v15 =	vmul.f32 $2.000000030e-01, v9  }
0x7f: {  	v26 =	vmul.f32 $1.442695020e+00, v12;
	v24 =	vld.idx.msk [tilespmem:v2+s13+$0x0], $0xffff;
	v12 =	vmul.f32 $2.000000030e-01, v10  }
0x80: {  	v11 =	vmul.f32 $1.442695020e+00, v11;
	v25 =	vadd.f32 v30, v25;
	v16 =	vld.idx.msk [tilespmem:v16+s12+$0x0], $0xffff;
	v9 =	vmax.f32 v9, v15  }
0x81: {  	v13 =	vmul.f32 $1.442695020e+00, v13;
	v29 =	vld.idx.msk [tilespmem:v8+s13+$0x0], $0xffff;
	v9 =	vmin.f32 v9, $3.000000000e+01;
	v10 =	vmax.f32 v10, v12  }
0x82: {  	v15 =	vadd.f32 v27, v18;
	v18 =	vld.idx.msk [tilespmem:v20+s12+$0x0], $0xffff;
	v20 =	vadd.f32 v22, v25;
	v10 =	vmin.f32 v10, $3.000000000e+01  }
0x83: {  	v9 =	vmul.f32 $1.442695020e+00, v9;
	v22 =	vld.idx.msk [tilespmem:v3+s13+$0x0], $0xffff;
	v25 =	vmul.f32 $1.442695020e+00, v10  }
0x84: {  	v21 =	vld.idx.msk [tilespmem:v21+s12+$0x0], $0xffff;
	v10 =	vmul.f32 $2.000000030e-01, v20;
	(erf) = vpow2.f32 v14  }
0x85: {  	v12 =	vadd.f32 v24, v19;
	v24 =	vld.idx.msk [tilespmem:v4+s13+$0x0], $0xffff;
	(erf) = vpow2.f32 v23  }
0x86: {  	v17 =	vld.idx.msk [tilespmem:v17+s12+$0x0], $0xffff;
	v10 =	vmax.f32 v20, v10;
	(erf) = vpow2.f32 v26  }
0x87: {  	v14 =	vadd.f32 v29, v16;
	v23 =	vld.idx.msk [tilespmem:v5+s13+$0x0], $0xffff;
	v16 =	vmin.f32 v10, $3.000000000e+01;
	(erf) = vpow2.f32 v11  }
0x88: {  	v10 =	vld.idx.msk [tilespmem:v28+s12+$0x0], $0xffff;
	v19 =	vmul.f32 $1.442695020e+00, v16;
	(erf) = vpow2.f32 v13  }
0x89: {  	v11 =	vadd.f32 v22, v18;
	v16 =	vld.idx.msk [tilespmem:v7+s13+$0x0], $0xffff;
	(erf) = vpow2.f32 v9  }
.Ltmp1:
0x8a: {  	v18 =	vld [tilespmem:s25+$0xFFFFFFC0];
	(erf) = vpow2.f32 v19;
	(pc) =	sbr.rel @p0 .LBB2_4-.Ltmp1, $4  }
0x8b: {  	v13 =	vadd.f32 v24, v21;
	v19 =	vld [tilespmem:s25+$0xFFFFFFD0];
	(erf) = vpow2.f32 v25  }
0x8c: {  	v20 =	vld [tilespmem:s25+$0xFFFFFFE0]  }
0x8d: {  	v9 =	vadd.f32 v23, v17;
	v21 =	vld [tilespmem:s25+$0xFFFFFFF0];
	v22 =	vpop (erf)  }
0x8e: {  	s31 =	sadd.s32 $0x80, s31;
	v17 =	vld [tilespmem:s25+$0x0];
	[tilespmem:s26+$0xFFFFFFC0] =	vst v22;
	v22 =	vpop (erf)  }
0x8f: {  	_ = 	snop  }
0x90: {  	v14 =	vadd.f32 v18, v14  }
0x91: {  	v18 =	vld [tilespmem:s25+$0x10];
	v15 =	vadd.f32 v19, v15  }
0x92: {  	v12 =	vadd.f32 v20, v12;
	v19 =	vmul.f32 $2.000000030e-01, v14  }
0x93: {  	v11 =	vadd.f32 v21, v11;
	v20 =	vmul.f32 $2.000000030e-01, v15;
	v13 =	vadd.f32 v17, v13  }
0x94: {  	v10 =	vadd.f32 v16, v10;
	v17 =	vld [tilespmem:s25+$0x20];
	v21 =	vmul.f32 $2.000000030e-01, v12;
	v14 =	vmax.f32 v14, v19  }
0x95: {  	v23 =	vmul.f32 $2.000000030e-01, v11;
	v15 =	vmax.f32 v15, v20;
	v16 =	vmul.f32 $2.000000030e-01, v13  }
0x96: {  	[tilespmem:s26+$0xFFFFFFD0] =	vst v22;
	s25 =	sadd.s32 $0x80, s28;
	v14 =	vmin.f32 v14, $3.000000000e+01;
	v9 =	vadd.f32 v18, v9;
	v12 =	vmax.f32 v12, v21  }
0x97: {  	[tilespmem:s25+$0x30] =	vst v6;
	v19 =	vpop (erf);
	v15 =	vmin.f32 v15, $3.000000000e+01;
	v14 =	vmul.f32 $1.442695020e+00, v14;
	v11 =	vmax.f32 v11, v23  }
0x98: {  	[tilespmem:s26+$0xFFFFFFE0] =	vst v19;
	v19 =	vpop (erf);
	v12 =	vmin.f32 v12, $3.000000000e+01;
	v15 =	vmul.f32 $1.442695020e+00, v15;
	v13 =	vmax.f32 v13, v16  }
0x99: {  	[tilespmem:s25+$0xFFFFFFC0] =	vst v8;
	v11 =	vmin.f32 v11, $3.000000000e+01;
	v10 =	vadd.f32 v17, v10;
	v17 =	vmul.f32 $2.000000030e-01, v9;
	v16 =	vpop (erf)  }
0x9a: {  	v12 =	vmul.f32 $1.442695020e+00, v12;
	v11 =	vmul.f32 $1.442695020e+00, v11;
	[tilespmem:s26+$0x0] =	vst v16;
	v16 =	vpop (erf)  }
0x9b: {  	[tilespmem:s26+$0xFFFFFFF0] =	vst v19;
	s26 =	sadd.s32 $0x80, s26;
	v18 =	vmul.f32 $2.000000030e-01, v10;
	v9 =	vmax.f32 v9, v17;
	v6 =	vpop (erf);
	(erf) = vpow2.f32 v14  }
0x9c: {  	v8 =	vmin.f32 v9, $3.000000000e+01;
	[tilespmem:s26+$0x30] =	vst v6;
	v6 =	vmin.f32 v13, $3.000000000e+01;
	(erf) = vpow2.f32 v15  }
0x9d: {  	[tilespmem:s25+$0xFFFFFFD0] =	vst v1;
	v9 =	vmax.f32 v10, v18;
	v6 =	vmul.f32 $1.442695020e+00, v6;
	(erf) = vpow2.f32 v12  }
0x9e: {  	[tilespmem:s25+$0xFFFFFFE0] =	vst v2;
	v8 =	vmul.f32 $1.442695020e+00, v8;
	v1 =	vmin.f32 v9, $3.000000000e+01;
	(erf) = vpow2.f32 v11  }
0x9f: {  	[tilespmem:s25+$0xFFFFFFF0] =	vst v3;
	v1 =	vmul.f32 $1.442695020e+00, v1;
	(erf) = vpow2.f32 v6  }
0xa0: {  	[tilespmem:s25+$0x0] =	vst v4;
	(erf) = vpow2.f32 v8  }
0xa1: {  	[tilespmem:s25+$0x10] =	vst v5;
	(erf) = vpow2.f32 v1  }
0xa2: {  	[tilespmem:s25+$0x20] =	vst v7  }
0xa3: {  	[tilespmem:s29+$0x10] =	vst v16;
	v9 =	vpop (erf)  }
0xa4: {  	[tilespmem:s29+$0x20] =	vst v9;
	v1 =	vpop (erf)  }
0xa5: {  	[tilespmem:s26+$0xFFFFFFC0] =	vst v1;
	v1 =	vpop (erf)  }
0xa6: {  	[tilespmem:s26+$0xFFFFFFD0] =	vst v1;
	v1 =	vpop (erf)  }
0xa7: {  	[tilespmem:s26+$0xFFFFFFE0] =	vst v1;
	v1 =	vpop (erf)  }
0xa8: {  	[tilespmem:s26+$0xFFFFFFF0] =	vst v1;
	v1 =	vpop (erf)  }
0xa9: {  	[tilespmem:s26+$0x0] =	vst v1;
	v1 =	vpop (erf)  }
0xaa: {  	v2 =	vpop (erf);
	[tilespmem:s26+$0x10] =	vst v1  }
0xab: {  	[tilespmem:s26+$0x20] =	vst v2;
	s26 =	simm.s32 $0x1470  }
0xac: {  	[spmem:s2] =	stream.indirect.scatter.add.f32 [tilespmem:s19], [sflag:$0x2], $0x1, s18, s17, $0xb8;
	[tilespmem:$0xEF60] =	vst v63  }
0xad: {  	v1 =	vld [tilespmem:s26+$0x0]  }
0xae: {  	v2 =	vld [tilespmem:s26+$0xFFFFFFA0]  }
0xaf: {  	v3 =	vld [tilespmem:s26+$0xFFFFFFB0]  }
0xb0: {  	v4 =	vld [tilespmem:s26+$0xFFFFFFC0]  }
0xb1: {  	v6 =	vld [tilespmem:s26+$0xFFFFFFD0]  }
0xb2: {  	v7 =	vld [tilespmem:s26+$0xFFFFFF90]  }
0xb3: {  	s25 =	simm.s32 $0x3B80;
	v8 =	vld [tilespmem:s26+$0xFFFFFFE0]  }
0xb4: {  	v18 =	vld [tilespmem:s25+$0x0]  }
0xb5: {  	v26 =	vld [tilespmem:s25+$0xFFFFFF90]  }
0xb6: {  	v27 =	vld [tilespmem:s25+$0xFFFFFFA0]  }
0xb7: {  	v28 =	vld [tilespmem:s25+$0xFFFFFFB0]  }
0xb8: {  	v29 =	vld [tilespmem:s25+$0xFFFFFFC0];
	v5 =	vand.u32 $0x3FFF, v1  }
0xb9: {  	v15 =	vshrl.u32 v1, $0xE;
	v1 =	vand.u32 $0x3FFF, v2;
	v10 =	vshrl.u32 v2, $0xE;
	v2 =	vld [tilespmem:s26+$0xFFFFFFF0];
	s26 =	simm.s32 $0x14F0  }
0xba: {  	v30 =	vld [tilespmem:s26+$0x0]  }
0xbb: {  	v31 =	vld [tilespmem:s26+$0xFFFFFFB0]  }
0xbc: {  	v33 =	vld [tilespmem:s26+$0xFFFFFFC0]  }
0xbd: {  	v34 =	vld [tilespmem:s26+$0xFFFFFFD0]  }
0xbe: {  	v42 =	vld [tilespmem:s26+$0xFFFFFFF0]  }
0xbf: {  	v11 =	vand.u32 $0x3FFF, v3;
	v35 =	vld [tilespmem:s26+$0xFFFFFF90]  }
0xc0: {  	v9 =	vshrl.u32 v3, $0xE;
	v5 =	vld.idx.msk [tilespmem:v5+s12+$0x0], $0xffff  }
0xc1: {  	v12 =	vand.u32 $0x3FFF, v7;
	v3 =	vld.idx.msk [tilespmem:v15+s13+$0x0], $0xffff  }
0xc2: {  	v16 =	vshrl.u32 v7, $0xE;
	v1 =	vld.idx.msk [tilespmem:v1+s12+$0x0], $0xffff  }
0xc3: {  	v17 =	vand.u32 $0x3FFF, v4;
	v7 =	vld.idx.msk [tilespmem:v10+s13+$0x0], $0xffff  }
0xc4: {  	v14 =	vshrl.u32 v4, $0xE;
	v4 =	vld.idx.msk [tilespmem:v11+s12+$0x0], $0xffff  }
0xc5: {  	v19 =	vand.u32 $0x3FFF, v6;
	v20 =	vld.idx.msk [tilespmem:v9+s13+$0x0], $0xffff  }
0xc6: {  	v13 =	vshrl.u32 v6, $0xE;
	v6 =	vld.idx.msk [tilespmem:v12+s12+$0x0], $0xffff  }
0xc7: {  	v21 =	vand.u32 $0x3FFF, v8;
	v22 =	vld.idx.msk [tilespmem:v16+s13+$0x0], $0xffff  }
0xc8: {  	v12 =	vshrl.u32 v8, $0xE;
	v8 =	vld.idx.msk [tilespmem:v17+s12+$0x0], $0xffff  }
0xc9: {  	v17 =	vand.u32 $0x3FFF, v2;
	v23 =	vld.idx.msk [tilespmem:v14+s13+$0x0], $0xffff  }
0xca: {  	v11 =	vshrl.u32 v2, $0xE;
	v2 =	vld.idx.msk [tilespmem:v19+s12+$0x0], $0xffff  }
0xcb: {  	v19 =	vld.idx.msk [tilespmem:v13+s13+$0x0], $0xffff;
	v3 =	vadd.f32 v3, v5  }
0xcc: {  	v21 =	vld.idx.msk [tilespmem:v21+s12+$0x0], $0xffff;
	v46 =	vand.u32 $0x3FFF, v31;
	v49 =	vand.u32 $0x3FFF, v35  }
0xcd: {  	v52 =	vand.u32 $0x3FFF, v33;
	v53 =	vand.u32 $0x3FFF, v34;
	v24 =	vld.idx.msk [tilespmem:v12+s13+$0x0], $0xffff;
	v3 =	vadd.f32 v18, v3  }
0xce: {  	v55 =	vand.u32 $0x3FFF, v42;
	v17 =	vld.idx.msk [tilespmem:v17+s12+$0x0], $0xffff;
	v7 =	vadd.f32 v7, v1;
	v4 =	vadd.f32 v20, v4  }
0xcf: {  	v25 =	vld.idx.msk [tilespmem:v11+s13+$0x0], $0xffff;
	v22 =	vadd.f32 v22, v6;
	v6 =	vshrl.u32 v30, $0xE;
	v32 =	vmul.f32 $2.000000030e-01, v3  }
0xd0: {  	v5 =	vld [tilespmem:s25+$0xFFFFFFD0];
	v8 =	vadd.f32 v23, v8;
	v19 =	vadd.f32 v19, v2;
	v2 =	vshrl.u32 v31, $0xE  }
0xd1: {  	v44 =	vld [tilespmem:s25+$0xFFFFFFF0];
	v22 =	vadd.f32 v26, v22;
	v7 =	vadd.f32 v27, v7;
	v1 =	vmax.f32 v3, v32  }
0xd2: {  	v18 =	vld [tilespmem:s26+$0xFFFFFFA0];
	v4 =	vadd.f32 v28, v4;
	v3 =	vand.u32 $0x3FFF, v30;
	v1 =	vmin.f32 v1, $3.000000000e+01  }
0xd3: {  	v20 =	vld [tilespmem:s26+$0xFFFFFFE0];
	v29 =	vadd.f32 v29, v8;
	v8 =	vshrl.u32 v35, $0xE;
	v43 =	vmul.f32 $1.442695020e+00, v1  }
0xd4: {  	v57 =	vld.idx.msk [tilespmem:v52+s12+$0x0], $0xffff;
	v45 =	vmul.f32 $2.000000030e-01, v22;
	v50 =	vmul.f32 $2.000000030e-01, v4;
	v21 =	vadd.f32 v24, v21  }
0xd5: {  	v60 =	vld.idx.msk [tilespmem:v53+s12+$0x0], $0xffff;
	v17 =	vadd.f32 v25, v17;
	v19 =	vadd.f32 v5, v19;
	(erf) = vpow2.f32 v43  }
0xd6: {  	v48 =	vld.idx.msk [tilespmem:v6+s13+$0x0], $0xffff;
	v5 =	vmul.f32 $2.000000030e-01, v29;
	v22 =	vmax.f32 v22, v45;
	v30 =	vmax.f32 v4, v50  }
0xd7: {  	v4 =	vshrl.u32 v34, $0xE;
	v23 =	vand.u32 $0x3FFF, v18;
	v37 =	vmul.f32 $2.000000030e-01, v19;
	v47 =	vld.idx.msk [tilespmem:v3+s12+$0x0], $0xffff  }
0xd8: {  	s28 =	simm.s32 $0x6260;
	v29 =	vmax.f32 v29, v5;
	v5 =	vshrl.u32 v20, $0xE;
	v1 =	vshrl.u32 v18, $0xE;
	v18 =	vld [tilespmem:s25+$0xFFFFFFE0];
	s25 =	simm.s32 $0x3C00  }
0xd9: {  	[tilespmem:s28+$0xFFFFFFC0] =	vst v16;
	v20 =	vand.u32 $0x3FFF, v20;
	v22 =	vmin.f32 v22, $3.000000000e+01;
	v17 =	vadd.f32 v44, v17;
	v36 =	vld [tilespmem:s25+$0x0]  }
0xda: {  	[tilespmem:s28+$0xFFFFFFD0] =	vst v10;
	v10 =	vld.idx.msk [tilespmem:v55+s12+$0x0], $0xffff;
	v22 =	vmul.f32 $1.442695020e+00, v22;
	v16 =	vmin.f32 v29, $3.000000000e+01;
	v19 =	vmax.f32 v19, v37  }
0xdb: {  	v26 =	vld.idx.msk [tilespmem:v46+s12+$0x0], $0xffff;
	v63 =	vmul.f32 $1.442695020e+00, v16;
	v19 =	vmin.f32 v19, $3.000000000e+01;
	v3 =	vmul.f32 $2.000000030e-01, v7  }
0xdc: {  	v54 =	vld.idx.msk [tilespmem:v2+s13+$0x0], $0xffff;
	(erf) = vpow2.f32 v22;
	v22 =	vmul.f32 $2.000000030e-01, v17;
	v27 =	vadd.f32 v48, v47  }
0xdd: {  	[tilespmem:s28+$0xFFFFFFE0] =	vst v9;
	v56 =	vld.idx.msk [tilespmem:v8+s13+$0x0], $0xffff;
	v9 =	vmul.f32 $1.442695020e+00, v19;
	v7 =	vmax.f32 v7, v3;
	v18 =	vadd.f32 v18, v21  }
0xde: {  	[tilespmem:s28+$0x30] =	vst v15;
	s26 =	simm.s32 $0x8970;
	v23 =	vld.idx.msk [tilespmem:v23+s12+$0x0], $0xffff;
	v3 =	vshrl.u32 v33, $0xE;
	v7 =	vmin.f32 v7, $3.000000000e+01;
	v27 =	vadd.f32 v36, v27;
	v15 =	vpop (erf)  }
0xdf: {  	v62 =	vld.idx.msk [tilespmem:v20+s12+$0x0], $0xffff;
	v58 =	vmul.f32 $1.442695020e+00, v7;
	v38 =	vmul.f32 $2.000000030e-01, v18;
	[tilespmem:s26+$0x30] =	vst v15;
	v15 =	vmin.f32 v30, $3.000000000e+01  }
0xe0: {  	v51 =	vld.idx.msk [tilespmem:v1+s13+$0x0], $0xffff;
	v17 =	vmax.f32 v17, v22;
	v22 =	vmul.f32 $2.000000030e-01, v27;
	v20 =	vmul.f32 $1.442695020e+00, v15  }
0xe1: {  	v61 =	vld.idx.msk [tilespmem:v4+s13+$0x0], $0xffff;
	v7 =	vshrl.u32 v42, $0xE;
	v18 =	vmax.f32 v18, v38;
	(erf) = vpow2.f32 v58  }
0xe2: {  	v21 =	vld.idx.msk [tilespmem:v49+s12+$0x0], $0xffff;
	v18 =	vmin.f32 v18, $3.000000000e+01;
	v22 =	vmax.f32 v27, v22;
	(erf) = vpow2.f32 v20  }
0xe3: {  	[tilespmem:s28+$0xFFFFFFF0] =	vst v14;
	v59 =	vld.idx.msk [tilespmem:v3+s13+$0x0], $0xffff;
	v14 =	vmul.f32 $1.442695020e+00, v18;
	v19 =	vmin.f32 v22, $3.000000000e+01;
	(erf) = vpow2.f32 v63  }
0xe4: {  	[tilespmem:s28+$0x0] =	vst v13;
	v13 =	vmin.f32 v17, $3.000000000e+01;
	v18 =	vld [tilespmem:s25+$0xFFFFFF90];
	v17 =	vmul.f32 $1.442695020e+00, v19;
	(erf) = vpow2.f32 v9  }
0xe5: {  	v15 =	vadd.f32 v51, v23;
	v23 =	vld.idx.msk [tilespmem:v5+s13+$0x0], $0xffff;
	v9 =	vmul.f32 $1.442695020e+00, v13;
	(erf) = vpow2.f32 v14  }
0xe6: {  	v16 =	vld.idx.msk [tilespmem:v7+s13+$0x0], $0xffff;
	(erf) = vpow2.f32 v17  }
0xe7: {  	v19 =	vld [tilespmem:s25+$0xFFFFFFA0];
	(erf) = vpow2.f32 v9  }
0xe8: {  	[tilespmem:s28+$0x10] =	vst v12;
	v12 =	vadd.f32 v54, v26;
	v20 =	vld [tilespmem:s25+$0xFFFFFFB0]  }
0xe9: {  	[tilespmem:s28+$0x20] =	vst v11;
	v11 =	vadd.f32 v59, v57;
	v22 =	vpop (erf);
	v14 =	vadd.f32 v56, v21;
	v21 =	vld [tilespmem:s25+$0xFFFFFFC0]  }
0xea: {  	s30 =	simm.s32 $0x80;
	s31 =	simm.s32 $0x1570;
	s29 =	simm.s32 $0x8970;
	v13 =	vadd.f32 v61, v60;
	[tilespmem:s26+$0xFFFFFFC0] =	vst v22;
	v17 =	vld [tilespmem:s25+$0xFFFFFFD0];
	v9 =	vadd.f32 v23, v62;
	v22 =	vpop (erf)  }
.LBB2_6:
0xeb: {  	v23 =	vld [tilespmem:s31+$0x0];
	v14 =	vadd.f32 v18, v14;
	v10 =	vadd.f32 v16, v10;
	[tilespmem:s26+$0xFFFFFFD0] =	vst v22;
	v16 =	vpop (erf)  }
0xec: {  	s30 =	sadd.s32 $0x80, s30;
	v18 =	vld [tilespmem:s31+$0xFFFFFFA0];
	v15 =	vadd.f32 v19, v15;
	[tilespmem:s26+$0xFFFFFFE0] =	vst v16;
	v16 =	vpop (erf)  }
0xed: {  	p0 =	slt.u32 s30, $0x1280;
	v19 =	vld [tilespmem:s31+$0xFFFFFFB0];
	v22 =	vmul.f32 $2.000000030e-01, v14;
	v12 =	vadd.f32 v20, v12;
	[tilespmem:s26+$0xFFFFFFF0] =	vst v16;
	v16 =	vpop (erf)  }
0xee: {  	s28 =	sadd.s32 $0x80, s28;
	v20 =	vld [tilespmem:s31+$0xFFFFFFC0];
	v24 =	vmul.f32 $2.000000030e-01, v15;
	v11 =	vadd.f32 v21, v11;
	[tilespmem:s26+$0x0] =	vst v16;
	v16 =	vpop (erf)  }
0xef: {  	s26 =	sadd.s32 $0x80, s26;
	v21 =	vld [tilespmem:s31+$0xFFFFFFD0];
	v14 =	vmax.f32 v14, v22;
	v22 =	vmul.f32 $2.000000030e-01, v12;
	v13 =	vadd.f32 v17, v13;
	[tilespmem:s28+$0x30] =	vst v6;
	v6 =	vpop (erf)  }
0xf0: {  	v17 =	vld [tilespmem:s31+$0xFFFFFFE0];
	v25 =	vand.u32 $0x3FFF, v23;
	v15 =	vmax.f32 v15, v24;
	v24 =	vmul.f32 $2.000000030e-01, v11;
	[tilespmem:s26+$0x30] =	vst v6;
	v26 =	vpop (erf)  }
0xf1: {  	v6 =	vshrl.u32 v23, $0xE;
	v27 =	vshrl.u32 v18, $0xE;
	v18 =	vand.u32 $0x3FFF, v18;
	v28 =	vld [tilespmem:s31+$0xFFFFFFF0];
	[tilespmem:s29+$0x10] =	vst v16  }
0xf2: {  	v29 =	vmul.f32 $2.000000030e-01, v13;
	v16 =	vld [tilespmem:s31+$0xFFFFFF90];
	v23 =	vshrl.u32 v19, $0xE;
	v19 =	vand.u32 $0x3FFF, v19;
	[tilespmem:s29+$0x20] =	vst v26;
	s29 =	smov.u32 s26  }
0xf3: {  	v12 =	vmax.f32 v12, v22;
	v26 =	vshrl.u32 v20, $0xE;
	v20 =	vand.u32 $0x3FFF, v20;
	[tilespmem:s28+$0xFFFFFFC0] =	vst v8;
	v22 =	vld [tilespmem:s25+$0xFFFFFFE0]  }
0xf4: {  	v11 =	vmax.f32 v11, v24;
	v30 =	vshrl.u32 v21, $0xE;
	v21 =	vand.u32 $0x3FFF, v21;
	[tilespmem:s28+$0xFFFFFFD0] =	vst v1;
	v24 =	vld [tilespmem:s25+$0xFFFFFFF0];
	v1 =	vmovc v27  }
0xf5: {  	v13 =	vmax.f32 v13, v29;
	v31 =	vshrl.u32 v17, $0xE;
	v17 =	vand.u32 $0x3FFF, v17;
	v25 =	vld.idx.msk [tilespmem:v25+s12+$0x0], $0xffff;
	[tilespmem:s28+$0xFFFFFFE0] =	vst v2;
	v2 =	vmovc v23  }
0xf6: {  	v14 =	vmin.f32 v14, $3.000000000e+01;
	v23 =	vshrl.u32 v28, $0xE;
	v28 =	vand.u32 $0x3FFF, v28;
	v29 =	vld.idx.msk [tilespmem:v6+s13+$0x0], $0xffff;
	[tilespmem:s28+$0xFFFFFFF0] =	vst v3;
	v3 =	vmovc v26  }
0xf7: {  	v15 =	vmin.f32 v15, $3.000000000e+01;
	v8 =	vshrl.u32 v16, $0xE;
	v16 =	vand.u32 $0x3FFF, v16;
	v18 =	vld.idx.msk [tilespmem:v18+s12+$0x0], $0xffff;
	[tilespmem:s28+$0x0] =	vst v4;
	v4 =	vmovc v30  }
0xf8: {  	v12 =	vmin.f32 v12, $3.000000000e+01;
	v11 =	vmin.f32 v11, $3.000000000e+01;
	s25 =	sadd.s32 $0x80, s25;
	v26 =	vld.idx.msk [tilespmem:v27+s13+$0x0], $0xffff;
	v9 =	vadd.f32 v22, v9;
	[tilespmem:s28+$0x10] =	vst v5;
	v5 =	vmovc v31  }
0xf9: {  	v14 =	vmul.f32 $1.442695020e+00, v14;
	v13 =	vmin.f32 v13, $3.000000000e+01;
	v22 =	vld [tilespmem:s25+$0x0];
	v10 =	vadd.f32 v24, v10;
	[tilespmem:s28+$0x20] =	vst v7;
	v7 =	vmovc v23  }
0xfa: {  	v23 =	vmul.f32 $1.442695020e+00, v15;
	v19 =	vld.idx.msk [tilespmem:v19+s12+$0x0], $0xffff;
	v15 =	vmul.f32 $2.000000030e-01, v9  }
0xfb: {  	v27 =	vmul.f32 $1.442695020e+00, v12;
	v24 =	vld.idx.msk [tilespmem:v2+s13+$0x0], $0xffff;
	v12 =	vmul.f32 $2.000000030e-01, v10  }
0xfc: {  	v11 =	vmul.f32 $1.442695020e+00, v11;
	v25 =	vadd.f32 v29, v25;
	v16 =	vld.idx.msk [tilespmem:v16+s12+$0x0], $0xffff;
	v9 =	vmax.f32 v9, v15  }
0xfd: {  	v13 =	vmul.f32 $1.442695020e+00, v13;
	v29 =	vld.idx.msk [tilespmem:v8+s13+$0x0], $0xffff;
	v9 =	vmin.f32 v9, $3.000000000e+01;
	v10 =	vmax.f32 v10, v12  }
0xfe: {  	v15 =	vadd.f32 v26, v18;
	v18 =	vld.idx.msk [tilespmem:v20+s12+$0x0], $0xffff;
	v20 =	vadd.f32 v22, v25;
	v10 =	vmin.f32 v10, $3.000000000e+01  }
0xff: {  	v9 =	vmul.f32 $1.442695020e+00, v9;
	v22 =	vld.idx.msk [tilespmem:v3+s13+$0x0], $0xffff;
	v25 =	vmul.f32 $1.442695020e+00, v10  }
0x100: {  	v21 =	vld.idx.msk [tilespmem:v21+s12+$0x0], $0xffff;
	v10 =	vmul.f32 $2.000000030e-01, v20;
	(erf) = vpow2.f32 v14  }
0x101: {  	v12 =	vadd.f32 v24, v19;
	v24 =	vld.idx.msk [tilespmem:v30+s13+$0x0], $0xffff;
	(erf) = vpow2.f32 v23  }
0x102: {  	v17 =	vld.idx.msk [tilespmem:v17+s12+$0x0], $0xffff;
	v10 =	vmax.f32 v20, v10;
	(erf) = vpow2.f32 v27  }
0x103: {  	v14 =	vadd.f32 v29, v16;
	v23 =	vld.idx.msk [tilespmem:v31+s13+$0x0], $0xffff;
	v16 =	vmin.f32 v10, $3.000000000e+01;
	(erf) = vpow2.f32 v11  }
0x104: {  	v10 =	vld.idx.msk [tilespmem:v28+s12+$0x0], $0xffff;
	v19 =	vmul.f32 $1.442695020e+00, v16;
	(erf) = vpow2.f32 v13  }
0x105: {  	v11 =	vadd.f32 v22, v18;
	v16 =	vld.idx.msk [tilespmem:v7+s13+$0x0], $0xffff;
	(erf) = vpow2.f32 v9  }
.Ltmp2:
0x106: {  	v18 =	vld [tilespmem:s25+$0xFFFFFF90];
	(erf) = vpow2.f32 v19;
	(pc) =	sbr.rel @p0 .LBB2_6-.Ltmp2, $4  }
0x107: {  	v13 =	vadd.f32 v24, v21;
	v19 =	vld [tilespmem:s25+$0xFFFFFFA0];
	(erf) = vpow2.f32 v25  }
0x108: {  	v20 =	vld [tilespmem:s25+$0xFFFFFFB0]  }
0x109: {  	v9 =	vadd.f32 v23, v17;
	v21 =	vld [tilespmem:s25+$0xFFFFFFC0];
	v22 =	vpop (erf)  }
0x10a: {  	s31 =	sadd.s32 $0x80, s31;
	v17 =	vld [tilespmem:s25+$0xFFFFFFD0];
	[tilespmem:s26+$0xFFFFFFC0] =	vst v22;
	v22 =	vpop (erf)  }
0x10b: {  	v48 =	vld [tilespmem:s25+$0xFFFFFFE0]  }
0x10c: {  	v14 =	vadd.f32 v18, v14;
	v51 =	vld [tilespmem:s25+$0xFFFFFFF0];
	v15 =	vadd.f32 v19, v15  }
0x10d: {  	v12 =	vadd.f32 v20, v12  }
0x10e: {  	v49 =	vmul.f32 $2.000000030e-01, v14;
	v11 =	vadd.f32 v21, v11;
	v50 =	vmul.f32 $2.000000030e-01, v15  }
0x10f: {  	v10 =	vadd.f32 v16, v10;
	v13 =	vadd.f32 v17, v13;
	v52 =	vmul.f32 $2.000000030e-01, v12  }
0x110: {  	v14 =	vmax.f32 v14, v49;
	v23 =	vmul.f32 $2.000000030e-01, v11;
	v15 =	vmax.f32 v15, v50  }
0x111: {  	[tilespmem:s26+$0xFFFFFFD0] =	vst v22;
	v54 =	vpop (erf);
	v14 =	vmin.f32 v14, $3.000000000e+01;
	v9 =	vadd.f32 v48, v9;
	v10 =	vadd.f32 v51, v10  }
0x112: {  	s31 =	sadd.s32 $0x80, s28;
	[tilespmem:s26+$0xFFFFFFE0] =	vst v54;
	v53 =	vmul.f32 $2.000000030e-01, v13;
	v12 =	vmax.f32 v12, v52;
	v15 =	vmin.f32 v15, $3.000000000e+01  }
0x113: {  	v55 =	vpop (erf);
	[tilespmem:s31+$0x30] =	vst v6;
	v14 =	vmul.f32 $1.442695020e+00, v14;
	v11 =	vmax.f32 v11, v23;
	v15 =	vmul.f32 $1.442695020e+00, v15  }
0x114: {  	[tilespmem:s31+$0xFFFFFFC0] =	vst v8;
	v56 =	vpop (erf);
	v12 =	vmin.f32 v12, $3.000000000e+01;
	v58 =	vmul.f32 $2.000000030e-01, v9;
	v60 =	vmul.f32 $2.000000030e-01, v10  }
0x115: {  	[tilespmem:s31+$0xFFFFFFD0] =	vst v1;
	v57 =	vpop (erf);
	v13 =	vmax.f32 v13, v53;
	v11 =	vmin.f32 v11, $3.000000000e+01;
	v12 =	vmul.f32 $1.442695020e+00, v12  }
0x116: {  	[tilespmem:s31+$0xFFFFFFE0] =	vst v2;
	v59 =	vpop (erf);
	(erf) = vpow2.f32 v14;
	v61 =	vmin.f32 v13, $3.000000000e+01;
	v11 =	vmul.f32 $1.442695020e+00, v11  }
0x117: {  	[tilespmem:s31+$0xFFFFFFF0] =	vst v3;
	v62 =	vpop (erf);
	v9 =	vmax.f32 v9, v58;
	(erf) = vpow2.f32 v15;
	v10 =	vmax.f32 v10, v60  }
0x118: {  	[tilespmem:s31+$0x0] =	vst v4;
	v6 =	vmul.f32 $1.442695020e+00, v61;
	v9 =	vmin.f32 v9, $3.000000000e+01;
	(erf) = vpow2.f32 v12  }
0x119: {  	[tilespmem:s31+$0x10] =	vst v5;
	v63 =	vmin.f32 v10, $3.000000000e+01;
	v9 =	vmul.f32 $1.442695020e+00, v9;
	(erf) = vpow2.f32 v11  }
0x11a: {  	[tilespmem:s31+$0x20] =	vst v7;
	v1 =	vmul.f32 $1.442695020e+00, v63;
	(erf) = vpow2.f32 v6  }
0x11b: {  	[tilespmem:s26+$0xFFFFFFF0] =	vst v55;
	(erf) = vpow2.f32 v9  }
0x11c: {  	[tilespmem:s26+$0x0] =	vst v56;
	(erf) = vpow2.f32 v1  }
0x11d: {  	s28 =	sadd.s32 $0x80, s26;
	[tilespmem:s29+$0x10] =	vst v57  }
0x11e: {  	[tilespmem:s28+$0x30] =	vst v59  }
0x11f: {  	[tilespmem:s29+$0x20] =	vst v62;
	v1 =	vpop (erf)  }
0x120: {  	[tilespmem:s28+$0xFFFFFFC0] =	vst v1;
	v1 =	vpop (erf)  }
0x121: {  	[tilespmem:s28+$0xFFFFFFD0] =	vst v1;
	v1 =	vpop (erf)  }
0x122: {  	[tilespmem:s28+$0xFFFFFFE0] =	vst v1;
	v1 =	vpop (erf)  }
0x123: {  	[tilespmem:s28+$0xFFFFFFF0] =	vst v1;
	v1 =	vpop (erf)  }
0x124: {  	[tilespmem:s28+$0x0] =	vst v1;
	v1 =	vpop (erf)  }
0x125: {  	v2 =	vpop (erf);
	[tilespmem:s28+$0x10] =	vst v1  }
0x126: {  	[tilespmem:s28+$0x20] =	vst v2  }
0x127: {  	v1 =	vld [tilespmem:$0x2700];
	_ =	sdelay $0x4  }
0x128: {  	v2 =	vand.u32 $0x3FFF, v1  }
0x129: {  	v1 =	vshrl.u32 v1, $0xE;
	_ =	sdelay $0x3  }
0x12a: {  	v2 =	vld.idx.msk [tilespmem:v2+s12+$0x0], $0xffff  }
0x12b: {  	v3 =	vld.idx.msk [tilespmem:v1+s13+$0x0], $0xffff;
	_ =	sdelay $0x1  }
0x12c: {  	v4 =	vld [tilespmem:$0x4E10];
	_ =	sdelay $0x2  }
0x12d: {  	v2 =	vadd.f32 v3, v2;
	_ =	sdelay $0x1  }
0x12e: {  	v2 =	vadd.f32 v4, v2;
	_ =	sdelay $0x1  }
0x12f: {  	v3 =	vmul.f32 $2.000000030e-01, v2;
	_ =	sdelay $0x1  }
0x130: {  	v2 =	vmax.f32 v2, v3  }
0x131: {  	v2 =	vmin.f32 v2, $3.000000000e+01  }
0x132: {  	v2 =	vmul.f32 $1.442695020e+00, v2;
	_ =	sdelay $0x1  }
0x133: {  	(erf) = vpow2.f32 v2;
	_ =	sdelay $0x8  }
0x134: {  	[tilespmem:$0x7520] =	vst v1;
	v1 =	vpop (erf)  }
0x135: {  	[tilespmem:$0x9C30] =	vst v1  }
0x136: {  	[spmem:s2] =	stream.indirect.scatter.add.f32 [tilespmem:s22], [sflag:$0x2], $0x1, s21, s20, $0xb8;
	[tilespmem:$0xEF60] =	vst v63  }
0x137: {  	_ =	swait.ge [sflag:s23], $0x1400  }
0x138: {  	[sflag:s23] =	ssyncset.done $0x0  }
0x139: {  	[sflag:s23] =	ssyncadd.s32 $0xFFFFEC00  }
0x13a: {  	_ =	swait.ge [sflag:s23], $0x1310  }
0x13b: {  	s30 =	sshll.u32 s1, $0x6;
	s24 =	sadd.s32 $0x1, s24;
	[sflag:s23] =	ssyncset.done $0x0  }
0x13c: {  	s25 =	sor.u32 $0x1C03, s30;
	p0 =	sne.s32 s24, s10;
	[sflag:s23] =	ssyncadd.s32 $0xFFFFECF0  }
.Ltmp3:
0x13d: {  	s31 =	sshrl.u32 s8, $0x3;
	[bflag:$0x0] =	sbarrier.arrive $0xFFFF;
	(pc) =	sbr.rel @p0 .LBB2_1-.Ltmp3, $4  }
0x13e: {  	[hbm:s9], [sflag:s25] =	dma.local [spmem:s31], $0x50  }
0x13f: {  	_ =	swait.ge [sflag:s15], $0x50  }
0x140: {  	[sflag:s15] =	ssyncset.done $0x0  }
0x141: {  	[sflag:s15] =	ssyncadd.s32 $0xFFFFFFB0  }
0x142: {  	_ =	sfence.sel $0x180000  }
0x143: {  	[bflag:$0x0] =	sbarrier.arrive $0xFFFF  }
0x144: {  	p0 =	sne.s32 s1, $0x0;
	_ =	strace $0x90000047  }
0x145: {  	s0 =	sadd.s32 @!p0 $0x100000, s0;
	[bflag:$0x2] =	sbarrier.arrive $0xFFFF  }
0x146: {  	[sflag:s0] =	ssyncadd.tile.s32 @!p0 $0x1;
	_ =	shalt  }
.Lfunc_end2:
_tile_overlayer_lowered:
.L_overlay_start_2:
0x147: {  	(tag) =	ssettag $0x2  }
0x148: {  	s0 =	rddreg [dreg:$0x0];
	s2 =	stileid.u32  }
0x149: {  	s1 =	rddreg [dreg:$0x1];
	p0 =	sne.s32 s2, $0x0  }
0x14a: {  	s3 =	rddreg [dreg:$0x2];
	[bflag:$0x3] =	sbarrier.arrive $0xFFFF;
	s2 =	simm.s32 @!p0 $0x1C03  }
0x14b: {  	[timem:s3], [sflag:s2] =	dma.local @!p0 [hbm:s0], s1  }
0x14c: {  	s0 =	simm.s32 @!p0 $0x3  }
0x14d: {  	_ =	swait.ge @!p0 [sflag:s0], s1  }
0x14e: {  	s1 =	ssub.s32 @!p0 $0x0, s1;
	[sflag:s0] =	ssyncset.done @!p0 $0x0  }
0x14f: {  	[sflag:s0] =	ssyncadd.s32 @!p0 s1  }
0x150: {  	[bflag:$0x3] =	sbarrier.arrive $0xFFFF  }
0x151: {  	_ =	shalt  }

</sc_bundles>
